<compile_context>
chip_gen: v7x
topology: tpu7x:2x2x1
jax: 0.10.2.dev20260603
libtpu: 0.0.44.dev20260713+nightly
codegen_flags: <defaults>
</compile_context>

<pallas_src>
import functools

import jax
import jax.numpy as jnp
from jax import lax
from jax.experimental import pallas as pl
from jax.experimental.pallas import tpu as pltpu
from jax.experimental.pallas import tpu_sc as plsc
from jax.experimental.layout import Format, Layout, with_layout_constraint

B = 16384
R = 32
NC = 2
NS = 16
L = 16
NW = NC * NS
BPW = B // NW
GRP = BPW // L


def _lane_take(x, idx):
    dnums = lax.GatherDimensionNumbers(
        offset_dims=(), collapsed_slice_dims=(0,), start_index_map=(0,))
    return lax.gather(x, idx[:, None], dnums, (1,),
                      mode=lax.GatherScatterMode.PROMISE_IN_BOUNDS)


def _body(u_hbm, i_hbm, j_hbm, U_hbm, V_hbm, out_hbm,
          idx_u, idx_i, idx_j, rows_u, rows_i, rows_j, out_v, sem):
    wid = lax.axis_index("s") * NC + lax.axis_index("c")
    base = wid * BPW

    pltpu.sync_copy(u_hbm.at[pl.ds(base, BPW)], idx_u)
    pltpu.sync_copy(i_hbm.at[pl.ds(base, BPW)], idx_i)
    pltpu.sync_copy(j_hbm.at[pl.ds(base, BPW)], idx_j)

    def fire(g, carry):
        d = pl.ds(g * L, L)
        pltpu.async_copy(U_hbm.at[idx_u[d]], rows_u.at[d], sem)
        pltpu.async_copy(V_hbm.at[idx_i[d]], rows_i.at[d], sem)
        pltpu.async_copy(V_hbm.at[idx_j[d]], rows_j.at[d], sem)
        return carry

    lax.fori_loop(0, GRP, fire, 0)
    pltpu.make_async_copy(U_hbm.at[pl.ds(0, BPW)], rows_u, sem).wait()
    pltpu.make_async_copy(V_hbm.at[pl.ds(0, BPW)], rows_i, sem).wait()
    pltpu.make_async_copy(V_hbm.at[pl.ds(0, BPW)], rows_j, sem).wait()

    lane = lax.iota(jnp.int32, L)
    rots = [(lane + off) & (L - 1) for off in (8, 4, 2, 1)]
    zero = jnp.zeros((L,), jnp.float32)

    def group(g, carry):
        gb = g * L
        acc = zero
        for t in range(L):
            r = gb + t
            u0 = rows_u[r, pl.ds(0, L)]
            u1 = rows_u[r, pl.ds(L, L)]
            i0 = rows_i[r, pl.ds(0, L)]
            i1 = rows_i[r, pl.ds(L, L)]
            j0 = rows_j[r, pl.ds(0, L)]
            j1 = rows_j[r, pl.ds(L, L)]
            s = u0 * (i0 - j0) + u1 * (i1 - j1)
            for rot in rots:
                s = s + _lane_take(s, rot)
            acc = jnp.where(lane == t, s, acc)
        out_v[pl.ds(gb, L)] = 1.0 / (1.0 + jnp.exp(-acc))
        return carry

    lax.fori_loop(0, GRP, group, 0)

    pltpu.sync_copy(out_v, out_hbm.at[pl.ds(base, BPW)])


@jax.jit
def _run(u, i, j, U, V):
    mesh = plsc.VectorSubcoreMesh(core_axis_name="c", subcore_axis_name="s")
    f = functools.partial(
        pl.kernel,
        mesh=mesh,
        out_type=jax.ShapeDtypeStruct((B,), jnp.float32),
        scratch_types=[
            pltpu.VMEM((BPW,), jnp.int32),
            pltpu.VMEM((BPW,), jnp.int32),
            pltpu.VMEM((BPW,), jnp.int32),
            pltpu.VMEM((BPW, R), jnp.float32),
            pltpu.VMEM((BPW, R), jnp.float32),
            pltpu.VMEM((BPW, R), jnp.float32),
            pltpu.VMEM((BPW,), jnp.float32),
            pltpu.SemaphoreType.DMA,
        ],
        compiler_params=pltpu.CompilerParams(use_tc_tiling_on_sc=False),
    )(_body)
    return f(u, i, j, U, V)


_SC_LAYOUT = Layout(major_to_minor=(0, 1), tiling=((16,),))


def kernel(u, i, j, U, V):
    U2 = with_layout_constraint(U, _SC_LAYOUT)
    V2 = with_layout_constraint(V, _SC_LAYOUT)
    return _run(u.astype(jnp.int32), i.astype(jnp.int32), j.astype(jnp.int32),
                U2, V2)

# --- scband reference (transcript-rebuilt; emitter-appended) ---
"""Pipeline reference for scband-mf-comp-36232344109174 (READ-ONLY COPY).

The authoritative reference and input builder live on the scoring server;
editing this copy changes nothing except your own understanding.
"""

import jax, jax.numpy as jnp
import numpy as np

N1 = 1000000
N2 = 1000000
R = 32
B = 16384

def _xavier_uniform(key, shape):
    fan_in, fan_out = shape[1], shape[0]
    limit = float(np.sqrt(6.0 / (fan_in + fan_out)))
    return jax.random.uniform(key, shape, dtype=jnp.float32, minval=-limit, maxval=limit)

def setup_inputs(seed: int = 0) -> dict:
    key = jax.random.key(seed)
    k_u, k_i, k_j, k_U, k_V = jax.random.split(key, 5)
    u = jax.random.randint(k_u, (B,), 0, N1, dtype=jnp.int64 if jax.config.jax_enable_x64 else jnp.int32)
    i = jax.random.randint(k_i, (B,), 0, N2, dtype=jnp.int64 if jax.config.jax_enable_x64 else jnp.int32)
    j = jax.random.randint(k_j, (B,), 0, N2, dtype=jnp.int64 if jax.config.jax_enable_x64 else jnp.int32)
    U = _xavier_uniform(k_U, (N1, R))
    V = _xavier_uniform(k_V, (N2, R))
    return {"u": u, "i": i, "j": j, "U": U, "V": V}

def reference(u, i, j, U, V):
    u_emb = jnp.take(U, u, axis=0)
    i_emb = jnp.take(V, i, axis=0)
    j_emb = jnp.take(V, j, axis=0)
    score_diff = jnp.sum(u_emb * i_emb, axis=1) - jnp.sum(u_emb * j_emb, axis=1)
    return jax.nn.sigmoid(score_diff)

if __name__ == "__main__":
    import jax
    _d = setup_inputs()
    print(jax.jit(kernel)(*tuple(_d.values())))

</pallas_src>

<mosaic_0001>
#map = affine_map<(d0, d1) -> (0)>
#map1 = affine_map<(d0, d1) -> (0, 0)>
module attributes {stable_mosaic.version = 14 : i64} {
  func.func @_body(%arg0: i32, %arg1: i32, %arg2: memref<16384xi32, #tpu.memory_space<hbm>>, %arg3: memref<16384xi32, #tpu.memory_space<hbm>>, %arg4: memref<16384xi32, #tpu.memory_space<hbm>>, %arg5: memref<1000000x32xf32, #tpu.memory_space<hbm>>, %arg6: memref<1000000x32xf32, #tpu.memory_space<hbm>>, %arg7: memref<16384xf32, #tpu.memory_space<hbm>>, %arg8: memref<512xi32, #tpu.memory_space<vmem>>, %arg9: memref<512xi32, #tpu.memory_space<vmem>>, %arg10: memref<512xi32, #tpu.memory_space<vmem>>, %arg11: memref<512x32xf32, #tpu.memory_space<vmem>>, %arg12: memref<512x32xf32, #tpu.memory_space<vmem>>, %arg13: memref<512x32xf32, #tpu.memory_space<vmem>>, %arg14: memref<512xf32, #tpu.memory_space<vmem>>, %arg15: memref<!tpu.dma_semaphore, #tpu.memory_space<semaphore_mem>>) attributes {dimension_semantics = [#tpu.dimension_semantics<core_parallel>, #tpu.dimension_semantics<subcore_parallel>], iteration_bounds = array<i64: 2, 16>, scalar_prefetch = 0 : i64, scratch_operands = 8 : i64, tpu.core_type = #tpu.core_type<sc_vector_subcore>, window_params = [{transform_indices = #map}, {transform_indices = #map}, {transform_indices = #map}, {transform_indices = #map1}, {transform_indices = #map1}, {transform_indices = #map}]} {
    %mul3A = arith.constant 2 : i32
    %mul3A_0 = arith.muli %arg1, %mul3A : i32
    %add3A = arith.addi %mul3A_0, %arg0 : i32
    %mul3A_1 = arith.constant 512 : i32
    %mul3A_2 = arith.muli %add3A, %mul3A_1 : i32
    "tpu.region"() ({
      %run_scoped3A = tpu.sem_alloc : memref<!tpu.dma_semaphore, #tpu.memory_space<semaphore_mem>>
      %dma_start3A = tpu.memref_slice %arg2[%mul3A_2] : memref<16384xi32, #tpu.memory_space<hbm>> -> memref<512xi32, #tpu.memory_space<hbm>>
      %dma_start3A_55 = tpu.memref_slice %arg2[%mul3A_2] : memref<16384xi32, #tpu.memory_space<hbm>> -> memref<512xi32, #tpu.memory_space<hbm>>
      tpu.enqueue_dma source(%dma_start3A_55 : memref<512xi32, #tpu.memory_space<hbm>>) target(%arg8 : memref<512xi32, #tpu.memory_space<vmem>>) target_semaphore(%run_scoped3A : memref<!tpu.dma_semaphore, #tpu.memory_space<semaphore_mem>>)
      %dma_wait3A_56 = tpu.memref_slice %arg2[%mul3A_2] : memref<16384xi32, #tpu.memory_space<hbm>> -> memref<512xi32, #tpu.memory_space<hbm>>
      %dma_wait3A_57 = tpu.memref_slice %arg2[%mul3A_2] : memref<16384xi32, #tpu.memory_space<hbm>> -> memref<512xi32, #tpu.memory_space<hbm>>
      tpu.wait_dma2 semaphore(%run_scoped3A : memref<!tpu.dma_semaphore, #tpu.memory_space<semaphore_mem>>) src(%dma_wait3A_57 : memref<512xi32, #tpu.memory_space<hbm>>) dst(%arg8 : memref<512xi32, #tpu.memory_space<vmem>>)
      tpu.yield
    }) : () -> ()
    "tpu.region"() ({
      %run_scoped3A = tpu.sem_alloc : memref<!tpu.dma_semaphore, #tpu.memory_space<semaphore_mem>>
      %dma_start3A = tpu.memref_slice %arg3[%mul3A_2] : memref<16384xi32, #tpu.memory_space<hbm>> -> memref<512xi32, #tpu.memory_space<hbm>>
      %dma_start3A_55 = tpu.memref_slice %arg3[%mul3A_2] : memref<16384xi32, #tpu.memory_space<hbm>> -> memref<512xi32, #tpu.memory_space<hbm>>
      tpu.enqueue_dma source(%dma_start3A_55 : memref<512xi32, #tpu.memory_space<hbm>>) target(%arg9 : memref<512xi32, #tpu.memory_space<vmem>>) target_semaphore(%run_scoped3A : memref<!tpu.dma_semaphore, #tpu.memory_space<semaphore_mem>>)
      %dma_wait3A_56 = tpu.memref_slice %arg3[%mul3A_2] : memref<16384xi32, #tpu.memory_space<hbm>> -> memref<512xi32, #tpu.memory_space<hbm>>
      %dma_wait3A_57 = tpu.memref_slice %arg3[%mul3A_2] : memref<16384xi32, #tpu.memory_space<hbm>> -> memref<512xi32, #tpu.memory_space<hbm>>
      tpu.wait_dma2 semaphore(%run_scoped3A : memref<!tpu.dma_semaphore, #tpu.memory_space<semaphore_mem>>) src(%dma_wait3A_57 : memref<512xi32, #tpu.memory_space<hbm>>) dst(%arg9 : memref<512xi32, #tpu.memory_space<vmem>>)
      tpu.yield
    }) : () -> ()
    "tpu.region"() ({
      %run_scoped3A = tpu.sem_alloc : memref<!tpu.dma_semaphore, #tpu.memory_space<semaphore_mem>>
      %dma_start3A = tpu.memref_slice %arg4[%mul3A_2] : memref<16384xi32, #tpu.memory_space<hbm>> -> memref<512xi32, #tpu.memory_space<hbm>>
      %dma_start3A_55 = tpu.memref_slice %arg4[%mul3A_2] : memref<16384xi32, #tpu.memory_space<hbm>> -> memref<512xi32, #tpu.memory_space<hbm>>
      tpu.enqueue_dma source(%dma_start3A_55 : memref<512xi32, #tpu.memory_space<hbm>>) target(%arg10 : memref<512xi32, #tpu.memory_space<vmem>>) target_semaphore(%run_scoped3A : memref<!tpu.dma_semaphore, #tpu.memory_space<semaphore_mem>>)
      %dma_wait3A_56 = tpu.memref_slice %arg4[%mul3A_2] : memref<16384xi32, #tpu.memory_space<hbm>> -> memref<512xi32, #tpu.memory_space<hbm>>
      %dma_wait3A_57 = tpu.memref_slice %arg4[%mul3A_2] : memref<16384xi32, #tpu.memory_space<hbm>> -> memref<512xi32, #tpu.memory_space<hbm>>
      tpu.wait_dma2 semaphore(%run_scoped3A : memref<!tpu.dma_semaphore, #tpu.memory_space<semaphore_mem>>) src(%dma_wait3A_57 : memref<512xi32, #tpu.memory_space<hbm>>) dst(%arg10 : memref<512xi32, #tpu.memory_space<vmem>>)
      tpu.yield
    }) : () -> ()
    %scan3A = arith.constant 0 : i32
    %scan3A_3 = arith.constant 0 : i32
    %scan3A_4 = arith.constant 32 : i32
    %scan3A_5 = arith.addi %scan3A_3, %scan3A_4 : i32
    %scan3A_6 = arith.constant 1 : i32
    scf.for %scan3A_55 = %scan3A_3 to %scan3A_5 step %scan3A_6  : i32 {
      %mul3A_56 = arith.constant 16 : i32
      %mul3A_57 = arith.muli %scan3A_55, %mul3A_56 : i32
      %get3A = arith.index_cast %mul3A_57 : i32 to index
      %get3A_58 = tpu.vector_load %arg8[%get3A] {strides = array<i32>} : memref<512xi32, #tpu.memory_space<vmem>>, vector<16xi32>,
      %get3A_59 = vector.shape_cast %get3A_58 : vector<16xi32> to vector<16xi32>
      %dma_start3A = arith.constant 0 : i32
      %dma_start3A_60 = tpu.memref_slice %arg11[%mul3A_57, %dma_start3A] : memref<512x32xf32, #tpu.memory_space<vmem>> -> memref<16x32xf32, #tpu.memory_space<vmem>>
      %dma_start3A_61 = arith.constant 0 : i32
      %dma_start3A_62 = arith.constant 0 : i32
      %dma_start3A_63 = tpu.memref_slice %arg5[%dma_start3A_61, %dma_start3A_62] : memref<1000000x32xf32, #tpu.memory_space<hbm>> -> memref<1000000x32xf32, #tpu.memory_space<hbm>>
      tpu.enqueue_indirect_dma source(%dma_start3A_63 : memref<1000000x32xf32, #tpu.memory_space<hbm>>) target(%dma_start3A_60 : memref<16x32xf32, #tpu.memory_space<vmem>>) offsets(%get3A_59 : vector<16xi32>) semaphore(%arg15 : memref<!tpu.dma_semaphore, #tpu.memory_space<semaphore_mem>>)
      %get3A_64 = arith.index_cast %mul3A_57 : i32 to index
      %get3A_65 = tpu.vector_load %arg9[%get3A_64] {strides = array<i32>} : memref<512xi32, #tpu.memory_space<vmem>>, vector<16xi32>,
      %get3A_66 = vector.shape_cast %get3A_65 : vector<16xi32> to vector<16xi32>
      %dma_start3A_67 = arith.constant 0 : i32
      %dma_start3A_68 = tpu.memref_slice %arg12[%mul3A_57, %dma_start3A_67] : memref<512x32xf32, #tpu.memory_space<vmem>> -> memref<16x32xf32, #tpu.memory_space<vmem>>
      %dma_start3A_69 = arith.constant 0 : i32
      %dma_start3A_70 = arith.constant 0 : i32
      %dma_start3A_71 = tpu.memref_slice %arg6[%dma_start3A_69, %dma_start3A_70] : memref<1000000x32xf32, #tpu.memory_space<hbm>> -> memref<1000000x32xf32, #tpu.memory_space<hbm>>
      tpu.enqueue_indirect_dma source(%dma_start3A_71 : memref<1000000x32xf32, #tpu.memory_space<hbm>>) target(%dma_start3A_68 : memref<16x32xf32, #tpu.memory_space<vmem>>) offsets(%get3A_66 : vector<16xi32>) semaphore(%arg15 : memref<!tpu.dma_semaphore, #tpu.memory_space<semaphore_mem>>)
      %get3A_72 = arith.index_cast %mul3A_57 : i32 to index
      %get3A_73 = tpu.vector_load %arg10[%get3A_72] {strides = array<i32>} : memref<512xi32, #tpu.memory_space<vmem>>, vector<16xi32>,
      %get3A_74 = vector.shape_cast %get3A_73 : vector<16xi32> to vector<16xi32>
      %dma_start3A_75 = arith.constant 0 : i32
      %dma_start3A_76 = tpu.memref_slice %arg13[%mul3A_57, %dma_start3A_75] : memref<512x32xf32, #tpu.memory_space<vmem>> -> memref<16x32xf32, #tpu.memory_space<vmem>>
      %dma_start3A_77 = arith.constant 0 : i32
      %dma_start3A_78 = arith.constant 0 : i32
      %dma_start3A_79 = tpu.memref_slice %arg6[%dma_start3A_77, %dma_start3A_78] : memref<1000000x32xf32, #tpu.memory_space<hbm>> -> memref<1000000x32xf32, #tpu.memory_space<hbm>>
      tpu.enqueue_indirect_dma source(%dma_start3A_79 : memref<1000000x32xf32, #tpu.memory_space<hbm>>) target(%dma_start3A_76 : memref<16x32xf32, #tpu.memory_space<vmem>>) offsets(%get3A_74 : vector<16xi32>) semaphore(%arg15 : memref<!tpu.dma_semaphore, #tpu.memory_space<semaphore_mem>>)
    }
    %scan3A_7 = arith.constant 32 : i32
    %dma_wait3A = arith.constant 0 : i32
    %dma_wait3A_8 = arith.constant 0 : i32
    %dma_wait3A_9 = tpu.memref_slice %arg5[%dma_wait3A, %dma_wait3A_8] : memref<1000000x32xf32, #tpu.memory_space<hbm>> -> memref<512x32xf32, #tpu.memory_space<hbm>>
    %dma_wait3A_10 = arith.constant 0 : i32
    %dma_wait3A_11 = arith.constant 0 : i32
    %dma_wait3A_12 = tpu.memref_slice %arg5[%dma_wait3A_10, %dma_wait3A_11] : memref<1000000x32xf32, #tpu.memory_space<hbm>> -> memref<512x32xf32, #tpu.memory_space<hbm>>
    tpu.wait_dma2 semaphore(%arg15 : memref<!tpu.dma_semaphore, #tpu.memory_space<semaphore_mem>>) src(%dma_wait3A_12 : memref<512x32xf32, #tpu.memory_space<hbm>>) dst(%arg11 : memref<512x32xf32, #tpu.memory_space<vmem>>)
    %dma_wait3A_13 = arith.constant 0 : i32
    %dma_wait3A_14 = arith.constant 0 : i32
    %dma_wait3A_15 = tpu.memref_slice %arg6[%dma_wait3A_13, %dma_wait3A_14] : memref<1000000x32xf32, #tpu.memory_space<hbm>> -> memref<512x32xf32, #tpu.memory_space<hbm>>
    %dma_wait3A_16 = arith.constant 0 : i32
    %dma_wait3A_17 = arith.constant 0 : i32
    %dma_wait3A_18 = tpu.memref_slice %arg6[%dma_wait3A_16, %dma_wait3A_17] : memref<1000000x32xf32, #tpu.memory_space<hbm>> -> memref<512x32xf32, #tpu.memory_space<hbm>>
    tpu.wait_dma2 semaphore(%arg15 : memref<!tpu.dma_semaphore, #tpu.memory_space<semaphore_mem>>) src(%dma_wait3A_18 : memref<512x32xf32, #tpu.memory_space<hbm>>) dst(%arg12 : memref<512x32xf32, #tpu.memory_space<vmem>>)
    %dma_wait3A_19 = arith.constant 0 : i32
    %dma_wait3A_20 = arith.constant 0 : i32
    %dma_wait3A_21 = tpu.memref_slice %arg6[%dma_wait3A_19, %dma_wait3A_20] : memref<1000000x32xf32, #tpu.memory_space<hbm>> -> memref<512x32xf32, #tpu.memory_space<hbm>>
    %dma_wait3A_22 = arith.constant 0 : i32
    %dma_wait3A_23 = arith.constant 0 : i32
    %dma_wait3A_24 = tpu.memref_slice %arg6[%dma_wait3A_22, %dma_wait3A_23] : memref<1000000x32xf32, #tpu.memory_space<hbm>> -> memref<512x32xf32, #tpu.memory_space<hbm>>
    tpu.wait_dma2 semaphore(%arg15 : memref<!tpu.dma_semaphore, #tpu.memory_space<semaphore_mem>>) src(%dma_wait3A_24 : memref<512x32xf32, #tpu.memory_space<hbm>>) dst(%arg13 : memref<512x32xf32, #tpu.memory_space<vmem>>)
    %iota3A = tpu.iota {dimensions = array<i32: 0>} : vector<16xi32>
    %add3A_25 = arith.constant 8 : i32
    %add3A_26 = vector.broadcast %add3A_25 : i32 to vector<16xi32>
    %add3A_27 = arith.addi %iota3A, %add3A_26 : vector<16xi32>
    %and3A = arith.constant 15 : i32
    %and3A_28 = vector.broadcast %and3A : i32 to vector<16xi32>
    %and3A_29 = arith.andi %add3A_27, %and3A_28 : vector<16xi32>
    %add3A_30 = arith.constant 4 : i32
    %add3A_31 = vector.broadcast %add3A_30 : i32 to vector<16xi32>
    %add3A_32 = arith.addi %iota3A, %add3A_31 : vector<16xi32>
    %and3A_33 = arith.constant 15 : i32
    %and3A_34 = vector.broadcast %and3A_33 : i32 to vector<16xi32>
    %and3A_35 = arith.andi %add3A_32, %and3A_34 : vector<16xi32>
    %add3A_36 = arith.constant 2 : i32
    %add3A_37 = vector.broadcast %add3A_36 : i32 to vector<16xi32>
    %add3A_38 = arith.addi %iota3A, %add3A_37 : vector<16xi32>
    %and3A_39 = arith.constant 15 : i32
    %and3A_40 = vector.broadcast %and3A_39 : i32 to vector<16xi32>
    %and3A_41 = arith.andi %add3A_38, %and3A_40 : vector<16xi32>
    %add3A_42 = arith.constant 1 : i32
    %add3A_43 = vector.broadcast %add3A_42 : i32 to vector<16xi32>
    %add3A_44 = arith.addi %iota3A, %add3A_43 : vector<16xi32>
    %and3A_45 = arith.constant 15 : i32
    %and3A_46 = vector.broadcast %and3A_45 : i32 to vector<16xi32>
    %and3A_47 = arith.andi %add3A_44, %and3A_46 : vector<16xi32>
    %broadcast_in_dim3A = arith.constant 0.000000e+00 : f32
    %broadcast_in_dim3A_48 = vector.broadcast %broadcast_in_dim3A : f32 to vector<16xf32>
    %scan3A_49 = arith.constant 0 : i32
    %scan3A_50 = arith.constant 0 : i32
    %scan3A_51 = arith.constant 32 : i32
    %scan3A_52 = arith.addi %scan3A_50, %scan3A_51 : i32
    %scan3A_53 = arith.constant 1 : i32
    scf.for %scan3A_55 = %scan3A_50 to %scan3A_52 step %scan3A_53  : i32 {
      %mul3A_56 = arith.constant 16 : i32
      %mul3A_57 = arith.muli %scan3A_55, %mul3A_56 : i32
      %add3A_58 = arith.constant 0 : i32
      %add3A_59 = arith.addi %mul3A_57, %add3A_58 : i32
      %get3A = arith.index_cast %add3A_59 : i32 to index
      %get3A_60 = arith.constant 0 : index
      %get3A_61 = tpu.vector_load %arg11[%get3A, %get3A_60] {strides = array<i32>} : memref<512x32xf32, #tpu.memory_space<vmem>>, vector<1x16xf32>,
      %get3A_62 = vector.shape_cast %get3A_61 : vector<1x16xf32> to vector<16xf32>
      %get3A_63 = arith.index_cast %add3A_59 : i32 to index
      %get3A_64 = arith.constant 16 : index
      %get3A_65 = tpu.vector_load %arg11[%get3A_63, %get3A_64] {strides = array<i32>} : memref<512x32xf32, #tpu.memory_space<vmem>>, vector<1x16xf32>,
      %get3A_66 = vector.shape_cast %get3A_65 : vector<1x16xf32> to vector<16xf32>
      %get3A_67 = arith.index_cast %add3A_59 : i32 to index
      %get3A_68 = arith.constant 0 : index
      %get3A_69 = tpu.vector_load %arg12[%get3A_67, %get3A_68] {strides = array<i32>} : memref<512x32xf32, #tpu.memory_space<vmem>>, vector<1x16xf32>,
      %get3A_70 = vector.shape_cast %get3A_69 : vector<1x16xf32> to vector<16xf32>
      %get3A_71 = arith.index_cast %add3A_59 : i32 to index
      %get3A_72 = arith.constant 16 : index
      %get3A_73 = tpu.vector_load %arg12[%get3A_71, %get3A_72] {strides = array<i32>} : memref<512x32xf32, #tpu.memory_space<vmem>>, vector<1x16xf32>,
      %get3A_74 = vector.shape_cast %get3A_73 : vector<1x16xf32> to vector<16xf32>
      %get3A_75 = arith.index_cast %add3A_59 : i32 to index
      %get3A_76 = arith.constant 0 : index
      %get3A_77 = tpu.vector_load %arg13[%get3A_75, %get3A_76] {strides = array<i32>} : memref<512x32xf32, #tpu.memory_space<vmem>>, vector<1x16xf32>,
      %get3A_78 = vector.shape_cast %get3A_77 : vector<1x16xf32> to vector<16xf32>
      %get3A_79 = arith.index_cast %add3A_59 : i32 to index
      %get3A_80 = arith.constant 16 : index
      %get3A_81 = tpu.vector_load %arg13[%get3A_79, %get3A_80] {strides = array<i32>} : memref<512x32xf32, #tpu.memory_space<vmem>>, vector<1x16xf32>,
      %get3A_82 = vector.shape_cast %get3A_81 : vector<1x16xf32> to vector<16xf32>
      %sub3A = arith.subf %get3A_70, %get3A_78 : vector<16xf32>
      %mul3A_83 = arith.mulf %get3A_62, %sub3A : vector<16xf32>
      %sub3A_84 = arith.subf %get3A_74, %get3A_82 : vector<16xf32>
      %mul3A_85 = arith.mulf %get3A_66, %sub3A_84 : vector<16xf32>
      %add3A_86 = arith.addf %mul3A_83, %mul3A_85 : vector<16xf32>
      %broadcast_in_dim3A_87 = vector.shape_cast %and3A_29 : vector<16xi32> to vector<16x1xi32>
      %gather3A = vector.shape_cast %broadcast_in_dim3A_87 : vector<16x1xi32> to vector<16xi32>
      %gather3A_88 = tpu.dynamic_gather %add3A_86[%gather3A] in [0] : vector<16xf32>, vector<16xi32> -> vector<16xf32>
      %add3A_89 = arith.addf %add3A_86, %gather3A_88 : vector<16xf32>
      %broadcast_in_dim3A_90 = vector.shape_cast %and3A_35 : vector<16xi32> to vector<16x1xi32>
      %gather3A_91 = vector.shape_cast %broadcast_in_dim3A_90 : vector<16x1xi32> to vector<16xi32>
      %gather3A_92 = tpu.dynamic_gather %add3A_89[%gather3A_91] in [0] : vector<16xf32>, vector<16xi32> -> vector<16xf32>
      %add3A_93 = arith.addf %add3A_89, %gather3A_92 : vector<16xf32>
      %broadcast_in_dim3A_94 = vector.shape_cast %and3A_41 : vector<16xi32> to vector<16x1xi32>
      %gather3A_95 = vector.shape_cast %broadcast_in_dim3A_94 : vector<16x1xi32> to vector<16xi32>
      %gather3A_96 = tpu.dynamic_gather %add3A_93[%gather3A_95] in [0] : vector<16xf32>, vector<16xi32> -> vector<16xf32>
      %add3A_97 = arith.addf %add3A_93, %gather3A_96 : vector<16xf32>
      %broadcast_in_dim3A_98 = vector.shape_cast %and3A_47 : vector<16xi32> to vector<16x1xi32>
      %gather3A_99 = vector.shape_cast %broadcast_in_dim3A_98 : vector<16x1xi32> to vector<16xi32>
      %gather3A_100 = tpu.dynamic_gather %add3A_97[%gather3A_99] in [0] : vector<16xf32>, vector<16xi32> -> vector<16xf32>
      %add3A_101 = arith.addf %add3A_97, %gather3A_100 : vector<16xf32>
      %eq3A = arith.constant 0 : i32
      %eq3A_102 = vector.broadcast %eq3A : i32 to vector<16xi32>
      %eq3A_103 = arith.cmpi eq, %iota3A, %eq3A_102 : vector<16xi32>
      %select_n3A = arith.select %eq3A_103, %add3A_101, %broadcast_in_dim3A_48 : vector<16xi1>, vector<16xf32>
      %add3A_104 = arith.constant 1 : i32
      %add3A_105 = arith.addi %mul3A_57, %add3A_104 : i32
      %get3A_106 = arith.index_cast %add3A_105 : i32 to index
      %get3A_107 = arith.constant 0 : index
      %get3A_108 = tpu.vector_load %arg11[%get3A_106, %get3A_107] {strides = array<i32>} : memref<512x32xf32, #tpu.memory_space<vmem>>, vector<1x16xf32>,
      %get3A_109 = vector.shape_cast %get3A_108 : vector<1x16xf32> to vector<16xf32>
      %get3A_110 = arith.index_cast %add3A_105 : i32 to index
      %get3A_111 = arith.constant 16 : index
      %get3A_112 = tpu.vector_load %arg11[%get3A_110, %get3A_111] {strides = array<i32>} : memref<512x32xf32, #tpu.memory_space<vmem>>, vector<1x16xf32>,
      %get3A_113 = vector.shape_cast %get3A_112 : vector<1x16xf32> to vector<16xf32>
      %get3A_114 = arith.index_cast %add3A_105 : i32 to index
      %get3A_115 = arith.constant 0 : index
      %get3A_116 = tpu.vector_load %arg12[%get3A_114, %get3A_115] {strides = array<i32>} : memref<512x32xf32, #tpu.memory_space<vmem>>, vector<1x16xf32>,
      %get3A_117 = vector.shape_cast %get3A_116 : vector<1x16xf32> to vector<16xf32>
      %get3A_118 = arith.index_cast %add3A_105 : i32 to index
      %get3A_119 = arith.constant 16 : index
      %get3A_120 = tpu.vector_load %arg12[%get3A_118, %get3A_119] {strides = array<i32>} : memref<512x32xf32, #tpu.memory_space<vmem>>, vector<1x16xf32>,
      %get3A_121 = vector.shape_cast %get3A_120 : vector<1x16xf32> to vector<16xf32>
      %get3A_122 = arith.index_cast %add3A_105 : i32 to index
      %get3A_123 = arith.constant 0 : index
      %get3A_124 = tpu.vector_load %arg13[%get3A_122, %get3A_123] {strides = array<i32>} : memref<512x32xf32, #tpu.memory_space<vmem>>, vector<1x16xf32>,
      %get3A_125 = vector.shape_cast %get3A_124 : vector<1x16xf32> to vector<16xf32>
      %get3A_126 = arith.index_cast %add3A_105 : i32 to index
      %get3A_127 = arith.constant 16 : index
      %get3A_128 = tpu.vector_load %arg13[%get3A_126, %get3A_127] {strides = array<i32>} : memref<512x32xf32, #tpu.memory_space<vmem>>, vector<1x16xf32>,
      %get3A_129 = vector.shape_cast %get3A_128 : vector<1x16xf32> to vector<16xf32>
      %sub3A_130 = arith.subf %get3A_117, %get3A_125 : vector<16xf32>
      %mul3A_131 = arith.mulf %get3A_109, %sub3A_130 : vector<16xf32>
      %sub3A_132 = arith.subf %get3A_121, %get3A_129 : vector<16xf32>
      %mul3A_133 = arith.mulf %get3A_113, %sub3A_132 : vector<16xf32>
      %add3A_134 = arith.addf %mul3A_131, %mul3A_133 : vector<16xf32>
      %broadcast_in_dim3A_135 = vector.shape_cast %and3A_29 : vector<16xi32> to vector<16x1xi32>
      %gather3A_136 = vector.shape_cast %broadcast_in_dim3A_135 : vector<16x1xi32> to vector<16xi32>
      %gather3A_137 = tpu.dynamic_gather %add3A_134[%gather3A_136] in [0] : vector<16xf32>, vector<16xi32> -> vector<16xf32>
      %add3A_138 = arith.addf %add3A_134, %gather3A_137 : vector<16xf32>
      %broadcast_in_dim3A_139 = vector.shape_cast %and3A_35 : vector<16xi32> to vector<16x1xi32>
      %gather3A_140 = vector.shape_cast %broadcast_in_dim3A_139 : vector<16x1xi32> to vector<16xi32>
      %gather3A_141 = tpu.dynamic_gather %add3A_138[%gather3A_140] in [0] : vector<16xf32>, vector<16xi32> -> vector<16xf32>
      %add3A_142 = arith.addf %add3A_138, %gather3A_141 : vector<16xf32>
      %broadcast_in_dim3A_143 = vector.shape_cast %and3A_41 : vector<16xi32> to vector<16x1xi32>
      %gather3A_144 = vector.shape_cast %broadcast_in_dim3A_143 : vector<16x1xi32> to vector<16xi32>
      %gather3A_145 = tpu.dynamic_gather %add3A_142[%gather3A_144] in [0] : vector<16xf32>, vector<16xi32> -> vector<16xf32>
      %add3A_146 = arith.addf %add3A_142, %gather3A_145 : vector<16xf32>
      %broadcast_in_dim3A_147 = vector.shape_cast %and3A_47 : vector<16xi32> to vector<16x1xi32>
      %gather3A_148 = vector.shape_cast %broadcast_in_dim3A_147 : vector<16x1xi32> to vector<16xi32>
      %gather3A_149 = tpu.dynamic_gather %add3A_146[%gather3A_148] in [0] : vector<16xf32>, vector<16xi32> -> vector<16xf32>
      %add3A_150 = arith.addf %add3A_146, %gather3A_149 : vector<16xf32>
      %eq3A_151 = arith.constant 1 : i32
      %eq3A_152 = vector.broadcast %eq3A_151 : i32 to vector<16xi32>
      %eq3A_153 = arith.cmpi eq, %iota3A, %eq3A_152 : vector<16xi32>
      %select_n3A_154 = arith.select %eq3A_153, %add3A_150, %select_n3A : vector<16xi1>, vector<16xf32>
      %add3A_155 = arith.constant 2 : i32
      %add3A_156 = arith.addi %mul3A_57, %add3A_155 : i32
      %get3A_157 = arith.index_cast %add3A_156 : i32 to index
      %get3A_158 = arith.constant 0 : index
      %get3A_159 = tpu.vector_load %arg11[%get3A_157, %get3A_158] {strides = array<i32>} : memref<512x32xf32, #tpu.memory_space<vmem>>, vector<1x16xf32>,
      %get3A_160 = vector.shape_cast %get3A_159 : vector<1x16xf32> to vector<16xf32>
      %get3A_161 = arith.index_cast %add3A_156 : i32 to index
      %get3A_162 = arith.constant 16 : index
      %get3A_163 = tpu.vector_load %arg11[%get3A_161, %get3A_162] {strides = array<i32>} : memref<512x32xf32, #tpu.memory_space<vmem>>, vector<1x16xf32>,
      %get3A_164 = vector.shape_cast %get3A_163 : vector<1x16xf32> to vector<16xf32>
      %get3A_165 = arith.index_cast %add3A_156 : i32 to index
      %get3A_166 = arith.constant 0 : index
      %get3A_167 = tpu.vector_load %arg12[%get3A_165, %get3A_166] {strides = array<i32>} : memref<512x32xf32, #tpu.memory_space<vmem>>, vector<1x16xf32>,
      %get3A_168 = vector.shape_cast %get3A_167 : vector<1x16xf32> to vector<16xf32>
      %get3A_169 = arith.index_cast %add3A_156 : i32 to index
      %get3A_170 = arith.constant 16 : index
      %get3A_171 = tpu.vector_load %arg12[%get3A_169, %get3A_170] {strides = array<i32>} : memref<512x32xf32, #tpu.memory_space<vmem>>, vector<1x16xf32>,
      %get3A_172 = vector.shape_cast %get3A_171 : vector<1x16xf32> to vector<16xf32>
      %get3A_173 = arith.index_cast %add3A_156 : i32 to index
      %get3A_174 = arith.constant 0 : index
      %get3A_175 = tpu.vector_load %arg13[%get3A_173, %get3A_174] {strides = array<i32>} : memref<512x32xf32, #tpu.memory_space<vmem>>, vector<1x16xf32>,
      %get3A_176 = vector.shape_cast %get3A_175 : vector<1x16xf32> to vector<16xf32>
      %get3A_177 = arith.index_cast %add3A_156 : i32 to index
      %get3A_178 = arith.constant 16 : index
      %get3A_179 = tpu.vector_load %arg13[%get3A_177, %get3A_178] {strides = array<i32>} : memref<512x32xf32, #tpu.memory_space<vmem>>, vector<1x16xf32>,
      %get3A_180 = vector.shape_cast %get3A_179 : vector<1x16xf32> to vector<16xf32>
      %sub3A_181 = arith.subf %get3A_168, %get3A_176 : vector<16xf32>
      %mul3A_182 = arith.mulf %get3A_160, %sub3A_181 : vector<16xf32>
      %sub3A_183 = arith.subf %get3A_172, %get3A_180 : vector<16xf32>
      %mul3A_184 = arith.mulf %get3A_164, %sub3A_183 : vector<16xf32>
      %add3A_185 = arith.addf %mul3A_182, %mul3A_184 : vector<16xf32>
      %broadcast_in_dim3A_186 = vector.shape_cast %and3A_29 : vector<16xi32> to vector<16x1xi32>
      %gather3A_187 = vector.shape_cast %broadcast_in_dim3A_186 : vector<16x1xi32> to vector<16xi32>
      %gather3A_188 = tpu.dynamic_gather %add3A_185[%gather3A_187] in [0] : vector<16xf32>, vector<16xi32> -> vector<16xf32>
      %add3A_189 = arith.addf %add3A_185, %gather3A_188 : vector<16xf32>
      %broadcast_in_dim3A_190 = vector.shape_cast %and3A_35 : vector<16xi32> to vector<16x1xi32>
      %gather3A_191 = vector.shape_cast %broadcast_in_dim3A_190 : vector<16x1xi32> to vector<16xi32>
      %gather3A_192 = tpu.dynamic_gather %add3A_189[%gather3A_191] in [0] : vector<16xf32>, vector<16xi32> -> vector<16xf32>
      %add3A_193 = arith.addf %add3A_189, %gather3A_192 : vector<16xf32>
      %broadcast_in_dim3A_194 = vector.shape_cast %and3A_41 : vector<16xi32> to vector<16x1xi32>
      %gather3A_195 = vector.shape_cast %broadcast_in_dim3A_194 : vector<16x1xi32> to vector<16xi32>
      %gather3A_196 = tpu.dynamic_gather %add3A_193[%gather3A_195] in [0] : vector<16xf32>, vector<16xi32> -> vector<16xf32>
      %add3A_197 = arith.addf %add3A_193, %gather3A_196 : vector<16xf32>
      %broadcast_in_dim3A_198 = vector.shape_cast %and3A_47 : vector<16xi32> to vector<16x1xi32>
      %gather3A_199 = vector.shape_cast %broadcast_in_dim3A_198 : vector<16x1xi32> to vector<16xi32>
      %gather3A_200 = tpu.dynamic_gather %add3A_197[%gather3A_199] in [0] : vector<16xf32>, vector<16xi32> -> vector<16xf32>
      %add3A_201 = arith.addf %add3A_197, %gather3A_200 : vector<16xf32>
      %eq3A_202 = arith.constant 2 : i32
      %eq3A_203 = vector.broadcast %eq3A_202 : i32 to vector<16xi32>
      %eq3A_204 = arith.cmpi eq, %iota3A, %eq3A_203 : vector<16xi32>
      %select_n3A_205 = arith.select %eq3A_204, %add3A_201, %select_n3A_154 : vector<16xi1>, vector<16xf32>
      %add3A_206 = arith.constant 3 : i32
      %add3A_207 = arith.addi %mul3A_57, %add3A_206 : i32
      %get3A_208 = arith.index_cast %add3A_207 : i32 to index
      %get3A_209 = arith.constant 0 : index
      %get3A_210 = tpu.vector_load %arg11[%get3A_208, %get3A_209] {strides = array<i32>} : memref<512x32xf32, #tpu.memory_space<vmem>>, vector<1x16xf32>,
      %get3A_211 = vector.shape_cast %get3A_210 : vector<1x16xf32> to vector<16xf32>
      %get3A_212 = arith.index_cast %add3A_207 : i32 to index
      %get3A_213 = arith.constant 16 : index
      %get3A_214 = tpu.vector_load %arg11[%get3A_212, %get3A_213] {strides = array<i32>} : memref<512x32xf32, #tpu.memory_space<vmem>>, vector<1x16xf32>,
      %get3A_215 = vector.shape_cast %get3A_214 : vector<1x16xf32> to vector<16xf32>
      %get3A_216 = arith.index_cast %add3A_207 : i32 to index
      %get3A_217 = arith.constant 0 : index
      %get3A_218 = tpu.vector_load %arg12[%get3A_216, %get3A_217] {strides = array<i32>} : memref<512x32xf32, #tpu.memory_space<vmem>>, vector<1x16xf32>,
      %get3A_219 = vector.shape_cast %get3A_218 : vector<1x16xf32> to vector<16xf32>
      %get3A_220 = arith.index_cast %add3A_207 : i32 to index
      %get3A_221 = arith.constant 16 : index
      %get3A_222 = tpu.vector_load %arg12[%get3A_220, %get3A_221] {strides = array<i32>} : memref<512x32xf32, #tpu.memory_space<vmem>>, vector<1x16xf32>,
      %get3A_223 = vector.shape_cast %get3A_222 : vector<1x16xf32> to vector<16xf32>
      %get3A_224 = arith.index_cast %add3A_207 : i32 to index
      %get3A_225 = arith.constant 0 : index
      %get3A_226 = tpu.vector_load %arg13[%get3A_224, %get3A_225] {strides = array<i32>} : memref<512x32xf32, #tpu.memory_space<vmem>>, vector<1x16xf32>,
      %get3A_227 = vector.shape_cast %get3A_226 : vector<1x16xf32> to vector<16xf32>
      %get3A_228 = arith.index_cast %add3A_207 : i32 to index
      %get3A_229 = arith.constant 16 : index
      %get3A_230 = tpu.vector_load %arg13[%get3A_228, %get3A_229] {strides = array<i32>} : memref<512x32xf32, #tpu.memory_space<vmem>>, vector<1x16xf32>,
      %get3A_231 = vector.shape_cast %get3A_230 : vector<1x16xf32> to vector<16xf32>
      %sub3A_232 = arith.subf %get3A_219, %get3A_227 : vector<16xf32>
      %mul3A_233 = arith.mulf %get3A_211, %sub3A_232 : vector<16xf32>
      %sub3A_234 = arith.subf %get3A_223, %get3A_231 : vector<16xf32>
      %mul3A_235 = arith.mulf %get3A_215, %sub3A_234 : vector<16xf32>
      %add3A_236 = arith.addf %mul3A_233, %mul3A_235 : vector<16xf32>
      %broadcast_in_dim3A_237 = vector.shape_cast %and3A_29 : vector<16xi32> to vector<16x1xi32>
      %gather3A_238 = vector.shape_cast %broadcast_in_dim3A_237 : vector<16x1xi32> to vector<16xi32>
      %gather3A_239 = tpu.dynamic_gather %add3A_236[%gather3A_238] in [0] : vector<16xf32>, vector<16xi32> -> vector<16xf32>
      %add3A_240 = arith.addf %add3A_236, %gather3A_239 : vector<16xf32>
      %broadcast_in_dim3A_241 = vector.shape_cast %and3A_35 : vector<16xi32> to vector<16x1xi32>
      %gather3A_242 = vector.shape_cast %broadcast_in_dim3A_241 : vector<16x1xi32> to vector<16xi32>
      %gather3A_243 = tpu.dynamic_gather %add3A_240[%gather3A_242] in [0] : vector<16xf32>, vector<16xi32> -> vector<16xf32>
      %add3A_244 = arith.addf %add3A_240, %gather3A_243 : vector<16xf32>
      %broadcast_in_dim3A_245 = vector.shape_cast %and3A_41 : vector<16xi32> to vector<16x1xi32>
      %gather3A_246 = vector.shape_cast %broadcast_in_dim3A_245 : vector<16x1xi32> to vector<16xi32>
      %gather3A_247 = tpu.dynamic_gather %add3A_244[%gather3A_246] in [0] : vector<16xf32>, vector<16xi32> -> vector<16xf32>
      %add3A_248 = arith.addf %add3A_244, %gather3A_247 : vector<16xf32>
      %broadcast_in_dim3A_249 = vector.shape_cast %and3A_47 : vector<16xi32> to vector<16x1xi32>
      %gather3A_250 = vector.shape_cast %broadcast_in_dim3A_249 : vector<16x1xi32> to vector<16xi32>
      %gather3A_251 = tpu.dynamic_gather %add3A_248[%gather3A_250] in [0] : vector<16xf32>, vector<16xi32> -> vector<16xf32>
      %add3A_252 = arith.addf %add3A_248, %gather3A_251 : vector<16xf32>
      %eq3A_253 = arith.constant 3 : i32
      %eq3A_254 = vector.broadcast %eq3A_253 : i32 to vector<16xi32>
      %eq3A_255 = arith.cmpi eq, %iota3A, %eq3A_254 : vector<16xi32>
      %select_n3A_256 = arith.select %eq3A_255, %add3A_252, %select_n3A_205 : vector<16xi1>, vector<16xf32>
      %add3A_257 = arith.constant 4 : i32
      %add3A_258 = arith.addi %mul3A_57, %add3A_257 : i32
      %get3A_259 = arith.index_cast %add3A_258 : i32 to index
      %get3A_260 = arith.constant 0 : index
      %get3A_261 = tpu.vector_load %arg11[%get3A_259, %get3A_260] {strides = array<i32>} : memref<512x32xf32, #tpu.memory_space<vmem>>, vector<1x16xf32>,
      %get3A_262 = vector.shape_cast %get3A_261 : vector<1x16xf32> to vector<16xf32>
      %get3A_263 = arith.index_cast %add3A_258 : i32 to index
      %get3A_264 = arith.constant 16 : index
      %get3A_265 = tpu.vector_load %arg11[%get3A_263, %get3A_264] {strides = array<i32>} : memref<512x32xf32, #tpu.memory_space<vmem>>, vector<1x16xf32>,
      %get3A_266 = vector.shape_cast %get3A_265 : vector<1x16xf32> to vector<16xf32>
      %get3A_267 = arith.index_cast %add3A_258 : i32 to index
      %get3A_268 = arith.constant 0 : index
      %get3A_269 = tpu.vector_load %arg12[%get3A_267, %get3A_268] {strides = array<i32>} : memref<512x32xf32, #tpu.memory_space<vmem>>, vector<1x16xf32>,
      %get3A_270 = vector.shape_cast %get3A_269 : vector<1x16xf32> to vector<16xf32>
      %get3A_271 = arith.index_cast %add3A_258 : i32 to index
      %get3A_272 = arith.constant 16 : index
      %get3A_273 = tpu.vector_load %arg12[%get3A_271, %get3A_272] {strides = array<i32>} : memref<512x32xf32, #tpu.memory_space<vmem>>, vector<1x16xf32>,
      %get3A_274 = vector.shape_cast %get3A_273 : vector<1x16xf32> to vector<16xf32>
      %get3A_275 = arith.index_cast %add3A_258 : i32 to index
      %get3A_276 = arith.constant 0 : index
      %get3A_277 = tpu.vector_load %arg13[%get3A_275, %get3A_276] {strides = array<i32>} : memref<512x32xf32, #tpu.memory_space<vmem>>, vector<1x16xf32>,
      %get3A_278 = vector.shape_cast %get3A_277 : vector<1x16xf32> to vector<16xf32>
      %get3A_279 = arith.index_cast %add3A_258 : i32 to index
      %get3A_280 = arith.constant 16 : index
      %get3A_281 = tpu.vector_load %arg13[%get3A_279, %get3A_280] {strides = array<i32>} : memref<512x32xf32, #tpu.memory_space<vmem>>, vector<1x16xf32>,
      %get3A_282 = vector.shape_cast %get3A_281 : vector<1x16xf32> to vector<16xf32>
      %sub3A_283 = arith.subf %get3A_270, %get3A_278 : vector<16xf32>
      %mul3A_284 = arith.mulf %get3A_262, %sub3A_283 : vector<16xf32>
      %sub3A_285 = arith.subf %get3A_274, %get3A_282 : vector<16xf32>
      %mul3A_286 = arith.mulf %get3A_266, %sub3A_285 : vector<16xf32>
      %add3A_287 = arith.addf %mul3A_284, %mul3A_286 : vector<16xf32>
      %broadcast_in_dim3A_288 = vector.shape_cast %and3A_29 : vector<16xi32> to vector<16x1xi32>
      %gather3A_289 = vector.shape_cast %broadcast_in_dim3A_288 : vector<16x1xi32> to vector<16xi32>
      %gather3A_290 = tpu.dynamic_gather %add3A_287[%gather3A_289] in [0] : vector<16xf32>, vector<16xi32> -> vector<16xf32>
      %add3A_291 = arith.addf %add3A_287, %gather3A_290 : vector<16xf32>
      %broadcast_in_dim3A_292 = vector.shape_cast %and3A_35 : vector<16xi32> to vector<16x1xi32>
      %gather3A_293 = vector.shape_cast %broadcast_in_dim3A_292 : vector<16x1xi32> to vector<16xi32>
      %gather3A_294 = tpu.dynamic_gather %add3A_291[%gather3A_293] in [0] : vector<16xf32>, vector<16xi32> -> vector<16xf32>
      %add3A_295 = arith.addf %add3A_291, %gather3A_294 : vector<16xf32>
      %broadcast_in_dim3A_296 = vector.shape_cast %and3A_41 : vector<16xi32> to vector<16x1xi32>
      %gather3A_297 = vector.shape_cast %broadcast_in_dim3A_296 : vector<16x1xi32> to vector<16xi32>
      %gather3A_298 = tpu.dynamic_gather %add3A_295[%gather3A_297] in [0] : vector<16xf32>, vector<16xi32> -> vector<16xf32>
      %add3A_299 = arith.addf %add3A_295, %gather3A_298 : vector<16xf32>
      %broadcast_in_dim3A_300 = vector.shape_cast %and3A_47 : vector<16xi32> to vector<16x1xi32>
      %gather3A_301 = vector.shape_cast %broadcast_in_dim3A_300 : vector<16x1xi32> to vector<16xi32>
      %gather3A_302 = tpu.dynamic_gather %add3A_299[%gather3A_301] in [0] : vector<16xf32>, vector<16xi32> -> vector<16xf32>
      %add3A_303 = arith.addf %add3A_299, %gather3A_302 : vector<16xf32>
      %eq3A_304 = arith.constant 4 : i32
      %eq3A_305 = vector.broadcast %eq3A_304 : i32 to vector<16xi32>
      %eq3A_306 = arith.cmpi eq, %iota3A, %eq3A_305 : vector<16xi32>
      %select_n3A_307 = arith.select %eq3A_306, %add3A_303, %select_n3A_256 : vector<16xi1>, vector<16xf32>
      %add3A_308 = arith.constant 5 : i32
      %add3A_309 = arith.addi %mul3A_57, %add3A_308 : i32
      %get3A_310 = arith.index_cast %add3A_309 : i32 to index
      %get3A_311 = arith.constant 0 : index
      %get3A_312 = tpu.vector_load %arg11[%get3A_310, %get3A_311] {strides = array<i32>} : memref<512x32xf32, #tpu.memory_space<vmem>>, vector<1x16xf32>,
      %get3A_313 = vector.shape_cast %get3A_312 : vector<1x16xf32> to vector<16xf32>
      %get3A_314 = arith.index_cast %add3A_309 : i32 to index
      %get3A_315 = arith.constant 16 : index
      %get3A_316 = tpu.vector_load %arg11[%get3A_314, %get3A_315] {strides = array<i32>} : memref<512x32xf32, #tpu.memory_space<vmem>>, vector<1x16xf32>,
      %get3A_317 = vector.shape_cast %get3A_316 : vector<1x16xf32> to vector<16xf32>
      %get3A_318 = arith.index_cast %add3A_309 : i32 to index
      %get3A_319 = arith.constant 0 : index
      %get3A_320 = tpu.vector_load %arg12[%get3A_318, %get3A_319] {strides = array<i32>} : memref<512x32xf32, #tpu.memory_space<vmem>>, vector<1x16xf32>,
      %get3A_321 = vector.shape_cast %get3A_320 : vector<1x16xf32> to vector<16xf32>
      %get3A_322 = arith.index_cast %add3A_309 : i32 to index
      %get3A_323 = arith.constant 16 : index
      %get3A_324 = tpu.vector_load %arg12[%get3A_322, %get3A_323] {strides = array<i32>} : memref<512x32xf32, #tpu.memory_space<vmem>>, vector<1x16xf32>,
      %get3A_325 = vector.shape_cast %get3A_324 : vector<1x16xf32> to vector<16xf32>
      %get3A_326 = arith.index_cast %add3A_309 : i32 to index
      %get3A_327 = arith.constant 0 : index
      %get3A_328 = tpu.vector_load %arg13[%get3A_326, %get3A_327] {strides = array<i32>} : memref<512x32xf32, #tpu.memory_space<vmem>>, vector<1x16xf32>,
      %get3A_329 = vector.shape_cast %get3A_328 : vector<1x16xf32> to vector<16xf32>
      %get3A_330 = arith.index_cast %add3A_309 : i32 to index
      %get3A_331 = arith.constant 16 : index
      %get3A_332 = tpu.vector_load %arg13[%get3A_330, %get3A_331] {strides = array<i32>} : memref<512x32xf32, #tpu.memory_space<vmem>>, vector<1x16xf32>,
      %get3A_333 = vector.shape_cast %get3A_332 : vector<1x16xf32> to vector<16xf32>
      %sub3A_334 = arith.subf %get3A_321, %get3A_329 : vector<16xf32>
      %mul3A_335 = arith.mulf %get3A_313, %sub3A_334 : vector<16xf32>
      %sub3A_336 = arith.subf %get3A_325, %get3A_333 : vector<16xf32>
      %mul3A_337 = arith.mulf %get3A_317, %sub3A_336 : vector<16xf32>
      %add3A_338 = arith.addf %mul3A_335, %mul3A_337 : vector<16xf32>
      %broadcast_in_dim3A_339 = vector.shape_cast %and3A_29 : vector<16xi32> to vector<16x1xi32>
      %gather3A_340 = vector.shape_cast %broadcast_in_dim3A_339 : vector<16x1xi32> to vector<16xi32>
      %gather3A_341 = tpu.dynamic_gather %add3A_338[%gather3A_340] in [0] : vector<16xf32>, vector<16xi32> -> vector<16xf32>
      %add3A_342 = arith.addf %add3A_338, %gather3A_341 : vector<16xf32>
      %broadcast_in_dim3A_343 = vector.shape_cast %and3A_35 : vector<16xi32> to vector<16x1xi32>
      %gather3A_344 = vector.shape_cast %broadcast_in_dim3A_343 : vector<16x1xi32> to vector<16xi32>
      %gather3A_345 = tpu.dynamic_gather %add3A_342[%gather3A_344] in [0] : vector<16xf32>, vector<16xi32> -> vector<16xf32>
      %add3A_346 = arith.addf %add3A_342, %gather3A_345 : vector<16xf32>
      %broadcast_in_dim3A_347 = vector.shape_cast %and3A_41 : vector<16xi32> to vector<16x1xi32>
      %gather3A_348 = vector.shape_cast %broadcast_in_dim3A_347 : vector<16x1xi32> to vector<16xi32>
      %gather3A_349 = tpu.dynamic_gather %add3A_346[%gather3A_348] in [0] : vector<16xf32>, vector<16xi32> -> vector<16xf32>
      %add3A_350 = arith.addf %add3A_346, %gather3A_349 : vector<16xf32>
      %broadcast_in_dim3A_351 = vector.shape_cast %and3A_47 : vector<16xi32> to vector<16x1xi32>
      %gather3A_352 = vector.shape_cast %broadcast_in_dim3A_351 : vector<16x1xi32> to vector<16xi32>
      %gather3A_353 = tpu.dynamic_gather %add3A_350[%gather3A_352] in [0] : vector<16xf32>, vector<16xi32> -> vector<16xf32>
      %add3A_354 = arith.addf %add3A_350, %gather3A_353 : vector<16xf32>
      %eq3A_355 = arith.constant 5 : i32
      %eq3A_356 = vector.broadcast %eq3A_355 : i32 to vector<16xi32>
      %eq3A_357 = arith.cmpi eq, %iota3A, %eq3A_356 : vector<16xi32>
      %select_n3A_358 = arith.select %eq3A_357, %add3A_354, %select_n3A_307 : vector<16xi1>, vector<16xf32>
      %add3A_359 = arith.constant 6 : i32
      %add3A_360 = arith.addi %mul3A_57, %add3A_359 : i32
      %get3A_361 = arith.index_cast %add3A_360 : i32 to index
      %get3A_362 = arith.constant 0 : index
      %get3A_363 = tpu.vector_load %arg11[%get3A_361, %get3A_362] {strides = array<i32>} : memref<512x32xf32, #tpu.memory_space<vmem>>, vector<1x16xf32>,
      %get3A_364 = vector.shape_cast %get3A_363 : vector<1x16xf32> to vector<16xf32>
      %get3A_365 = arith.index_cast %add3A_360 : i32 to index
      %get3A_366 = arith.constant 16 : index
      %get3A_367 = tpu.vector_load %arg11[%get3A_365, %get3A_366] {strides = array<i32>} : memref<512x32xf32, #tpu.memory_space<vmem>>, vector<1x16xf32>,
      %get3A_368 = vector.shape_cast %get3A_367 : vector<1x16xf32> to vector<16xf32>
      %get3A_369 = arith.index_cast %add3A_360 : i32 to index
      %get3A_370 = arith.constant 0 : index
      %get3A_371 = tpu.vector_load %arg12[%get3A_369, %get3A_370] {strides = array<i32>} : memref<512x32xf32, #tpu.memory_space<vmem>>, vector<1x16xf32>,
      %get3A_372 = vector.shape_cast %get3A_371 : vector<1x16xf32> to vector<16xf32>
      %get3A_373 = arith.index_cast %add3A_360 : i32 to index
      %get3A_374 = arith.constant 16 : index
      %get3A_375 = tpu.vector_load %arg12[%get3A_373, %get3A_374] {strides = array<i32>} : memref<512x32xf32, #tpu.memory_space<vmem>>, vector<1x16xf32>,
      %get3A_376 = vector.shape_cast %get3A_375 : vector<1x16xf32> to vector<16xf32>
      %get3A_377 = arith.index_cast %add3A_360 : i32 to index
      %get3A_378 = arith.constant 0 : index
      %get3A_379 = tpu.vector_load %arg13[%get3A_377, %get3A_378] {strides = array<i32>} : memref<512x32xf32, #tpu.memory_space<vmem>>, vector<1x16xf32>,
      %get3A_380 = vector.shape_cast %get3A_379 : vector<1x16xf32> to vector<16xf32>
      %get3A_381 = arith.index_cast %add3A_360 : i32 to index
      %get3A_382 = arith.constant 16 : index
      %get3A_383 = tpu.vector_load %arg13[%get3A_381, %get3A_382] {strides = array<i32>} : memref<512x32xf32, #tpu.memory_space<vmem>>, vector<1x16xf32>,
      %get3A_384 = vector.shape_cast %get3A_383 : vector<1x16xf32> to vector<16xf32>
      %sub3A_385 = arith.subf %get3A_372, %get3A_380 : vector<16xf32>
      %mul3A_386 = arith.mulf %get3A_364, %sub3A_385 : vector<16xf32>
      %sub3A_387 = arith.subf %get3A_376, %get3A_384 : vector<16xf32>
      %mul3A_388 = arith.mulf %get3A_368, %sub3A_387 : vector<16xf32>
      %add3A_389 = arith.addf %mul3A_386, %mul3A_388 : vector<16xf32>
      %broadcast_in_dim3A_390 = vector.shape_cast %and3A_29 : vector<16xi32> to vector<16x1xi32>
      %gather3A_391 = vector.shape_cast %broadcast_in_dim3A_390 : vector<16x1xi32> to vector<16xi32>
      %gather3A_392 = tpu.dynamic_gather %add3A_389[%gather3A_391] in [0] : vector<16xf32>, vector<16xi32> -> vector<16xf32>
      %add3A_393 = arith.addf %add3A_389, %gather3A_392 : vector<16xf32>
      %broadcast_in_dim3A_394 = vector.shape_cast %and3A_35 : vector<16xi32> to vector<16x1xi32>
      %gather3A_395 = vector.shape_cast %broadcast_in_dim3A_394 : vector<16x1xi32> to vector<16xi32>
      %gather3A_396 = tpu.dynamic_gather %add3A_393[%gather3A_395] in [0] : vector<16xf32>, vector<16xi32> -> vector<16xf32>
      %add3A_397 = arith.addf %add3A_393, %gather3A_396 : vector<16xf32>
      %broadcast_in_dim3A_398 = vector.shape_cast %and3A_41 : vector<16xi32> to vector<16x1xi32>
      %gather3A_399 = vector.shape_cast %broadcast_in_dim3A_398 : vector<16x1xi32> to vector<16xi32>
      %gather3A_400 = tpu.dynamic_gather %add3A_397[%gather3A_399] in [0] : vector<16xf32>, vector<16xi32> -> vector<16xf32>
      %add3A_401 = arith.addf %add3A_397, %gather3A_400 : vector<16xf32>
      %broadcast_in_dim3A_402 = vector.shape_cast %and3A_47 : vector<16xi32> to vector<16x1xi32>
      %gather3A_403 = vector.shape_cast %broadcast_in_dim3A_402 : vector<16x1xi32> to vector<16xi32>
      %gather3A_404 = tpu.dynamic_gather %add3A_401[%gather3A_403] in [0] : vector<16xf32>, vector<16xi32> -> vector<16xf32>
      %add3A_405 = arith.addf %add3A_401, %gather3A_404 : vector<16xf32>
      %eq3A_406 = arith.constant 6 : i32
      %eq3A_407 = vector.broadcast %eq3A_406 : i32 to vector<16xi32>
      %eq3A_408 = arith.cmpi eq, %iota3A, %eq3A_407 : vector<16xi32>
      %select_n3A_409 = arith.select %eq3A_408, %add3A_405, %select_n3A_358 : vector<16xi1>, vector<16xf32>
      %add3A_410 = arith.constant 7 : i32
      %add3A_411 = arith.addi %mul3A_57, %add3A_410 : i32
      %get3A_412 = arith.index_cast %add3A_411 : i32 to index
      %get3A_413 = arith.constant 0 : index
      %get3A_414 = tpu.vector_load %arg11[%get3A_412, %get3A_413] {strides = array<i32>} : memref<512x32xf32, #tpu.memory_space<vmem>>, vector<1x16xf32>,
      %get3A_415 = vector.shape_cast %get3A_414 : vector<1x16xf32> to vector<16xf32>
      %get3A_416 = arith.index_cast %add3A_411 : i32 to index
      %get3A_417 = arith.constant 16 : index
      %get3A_418 = tpu.vector_load %arg11[%get3A_416, %get3A_417] {strides = array<i32>} : memref<512x32xf32, #tpu.memory_space<vmem>>, vector<1x16xf32>,
      %get3A_419 = vector.shape_cast %get3A_418 : vector<1x16xf32> to vector<16xf32>
      %get3A_420 = arith.index_cast %add3A_411 : i32 to index
      %get3A_421 = arith.constant 0 : index
      %get3A_422 = tpu.vector_load %arg12[%get3A_420, %get3A_421] {strides = array<i32>} : memref<512x32xf32, #tpu.memory_space<vmem>>, vector<1x16xf32>,
      %get3A_423 = vector.shape_cast %get3A_422 : vector<1x16xf32> to vector<16xf32>
      %get3A_424 = arith.index_cast %add3A_411 : i32 to index
      %get3A_425 = arith.constant 16 : index
      %get3A_426 = tpu.vector_load %arg12[%get3A_424, %get3A_425] {strides = array<i32>} : memref<512x32xf32, #tpu.memory_space<vmem>>, vector<1x16xf32>,
      %get3A_427 = vector.shape_cast %get3A_426 : vector<1x16xf32> to vector<16xf32>
      %get3A_428 = arith.index_cast %add3A_411 : i32 to index
      %get3A_429 = arith.constant 0 : index
      %get3A_430 = tpu.vector_load %arg13[%get3A_428, %get3A_429] {strides = array<i32>} : memref<512x32xf32, #tpu.memory_space<vmem>>, vector<1x16xf32>,
      %get3A_431 = vector.shape_cast %get3A_430 : vector<1x16xf32> to vector<16xf32>
      %get3A_432 = arith.index_cast %add3A_411 : i32 to index
      %get3A_433 = arith.constant 16 : index
      %get3A_434 = tpu.vector_load %arg13[%get3A_432, %get3A_433] {strides = array<i32>} : memref<512x32xf32, #tpu.memory_space<vmem>>, vector<1x16xf32>,
      %get3A_435 = vector.shape_cast %get3A_434 : vector<1x16xf32> to vector<16xf32>
      %sub3A_436 = arith.subf %get3A_423, %get3A_431 : vector<16xf32>
      %mul3A_437 = arith.mulf %get3A_415, %sub3A_436 : vector<16xf32>
      %sub3A_438 = arith.subf %get3A_427, %get3A_435 : vector<16xf32>
      %mul3A_439 = arith.mulf %get3A_419, %sub3A_438 : vector<16xf32>
      %add3A_440 = arith.addf %mul3A_437, %mul3A_439 : vector<16xf32>
      %broadcast_in_dim3A_441 = vector.shape_cast %and3A_29 : vector<16xi32> to vector<16x1xi32>
      %gather3A_442 = vector.shape_cast %broadcast_in_dim3A_441 : vector<16x1xi32> to vector<16xi32>
      %gather3A_443 = tpu.dynamic_gather %add3A_440[%gather3A_442] in [0] : vector<16xf32>, vector<16xi32> -> vector<16xf32>
      %add3A_444 = arith.addf %add3A_440, %gather3A_443 : vector<16xf32>
      %broadcast_in_dim3A_445 = vector.shape_cast %and3A_35 : vector<16xi32> to vector<16x1xi32>
      %gather3A_446 = vector.shape_cast %broadcast_in_dim3A_445 : vector<16x1xi32> to vector<16xi32>
      %gather3A_447 = tpu.dynamic_gather %add3A_444[%gather3A_446] in [0] : vector<16xf32>, vector<16xi32> -> vector<16xf32>
      %add3A_448 = arith.addf %add3A_444, %gather3A_447 : vector<16xf32>
      %broadcast_in_dim3A_449 = vector.shape_cast %and3A_41 : vector<16xi32> to vector<16x1xi32>
      %gather3A_450 = vector.shape_cast %broadcast_in_dim3A_449 : vector<16x1xi32> to vector<16xi32>
      %gather3A_451 = tpu.dynamic_gather %add3A_448[%gather3A_450] in [0] : vector<16xf32>, vector<16xi32> -> vector<16xf32>
      %add3A_452 = arith.addf %add3A_448, %gather3A_451 : vector<16xf32>
      %broadcast_in_dim3A_453 = vector.shape_cast %and3A_47 : vector<16xi32> to vector<16x1xi32>
      %gather3A_454 = vector.shape_cast %broadcast_in_dim3A_453 : vector<16x1xi32> to vector<16xi32>
      %gather3A_455 = tpu.dynamic_gather %add3A_452[%gather3A_454] in [0] : vector<16xf32>, vector<16xi32> -> vector<16xf32>
      %add3A_456 = arith.addf %add3A_452, %gather3A_455 : vector<16xf32>
      %eq3A_457 = arith.constant 7 : i32
      %eq3A_458 = vector.broadcast %eq3A_457 : i32 to vector<16xi32>
      %eq3A_459 = arith.cmpi eq, %iota3A, %eq3A_458 : vector<16xi32>
      %select_n3A_460 = arith.select %eq3A_459, %add3A_456, %select_n3A_409 : vector<16xi1>, vector<16xf32>
      %add3A_461 = arith.constant 8 : i32
      %add3A_462 = arith.addi %mul3A_57, %add3A_461 : i32
      %get3A_463 = arith.index_cast %add3A_462 : i32 to index
      %get3A_464 = arith.constant 0 : index
      %get3A_465 = tpu.vector_load %arg11[%get3A_463, %get3A_464] {strides = array<i32>} : memref<512x32xf32, #tpu.memory_space<vmem>>, vector<1x16xf32>,
      %get3A_466 = vector.shape_cast %get3A_465 : vector<1x16xf32> to vector<16xf32>
      %get3A_467 = arith.index_cast %add3A_462 : i32 to index
      %get3A_468 = arith.constant 16 : index
      %get3A_469 = tpu.vector_load %arg11[%get3A_467, %get3A_468] {strides = array<i32>} : memref<512x32xf32, #tpu.memory_space<vmem>>, vector<1x16xf32>,
      %get3A_470 = vector.shape_cast %get3A_469 : vector<1x16xf32> to vector<16xf32>
      %get3A_471 = arith.index_cast %add3A_462 : i32 to index
      %get3A_472 = arith.constant 0 : index
      %get3A_473 = tpu.vector_load %arg12[%get3A_471, %get3A_472] {strides = array<i32>} : memref<512x32xf32, #tpu.memory_space<vmem>>, vector<1x16xf32>,
      %get3A_474 = vector.shape_cast %get3A_473 : vector<1x16xf32> to vector<16xf32>
      %get3A_475 = arith.index_cast %add3A_462 : i32 to index
      %get3A_476 = arith.constant 16 : index
      %get3A_477 = tpu.vector_load %arg12[%get3A_475, %get3A_476] {strides = array<i32>} : memref<512x32xf32, #tpu.memory_space<vmem>>, vector<1x16xf32>,
      %get3A_478 = vector.shape_cast %get3A_477 : vector<1x16xf32> to vector<16xf32>
      %get3A_479 = arith.index_cast %add3A_462 : i32 to index
      %get3A_480 = arith.constant 0 : index
      %get3A_481 = tpu.vector_load %arg13[%get3A_479, %get3A_480] {strides = array<i32>} : memref<512x32xf32, #tpu.memory_space<vmem>>, vector<1x16xf32>,
      %get3A_482 = vector.shape_cast %get3A_481 : vector<1x16xf32> to vector<16xf32>
      %get3A_483 = arith.index_cast %add3A_462 : i32 to index
      %get3A_484 = arith.constant 16 : index
      %get3A_485 = tpu.vector_load %arg13[%get3A_483, %get3A_484] {strides = array<i32>} : memref<512x32xf32, #tpu.memory_space<vmem>>, vector<1x16xf32>,
      %get3A_486 = vector.shape_cast %get3A_485 : vector<1x16xf32> to vector<16xf32>
      %sub3A_487 = arith.subf %get3A_474, %get3A_482 : vector<16xf32>
      %mul3A_488 = arith.mulf %get3A_466, %sub3A_487 : vector<16xf32>
      %sub3A_489 = arith.subf %get3A_478, %get3A_486 : vector<16xf32>
      %mul3A_490 = arith.mulf %get3A_470, %sub3A_489 : vector<16xf32>
      %add3A_491 = arith.addf %mul3A_488, %mul3A_490 : vector<16xf32>
      %broadcast_in_dim3A_492 = vector.shape_cast %and3A_29 : vector<16xi32> to vector<16x1xi32>
      %gather3A_493 = vector.shape_cast %broadcast_in_dim3A_492 : vector<16x1xi32> to vector<16xi32>
      %gather3A_494 = tpu.dynamic_gather %add3A_491[%gather3A_493] in [0] : vector<16xf32>, vector<16xi32> -> vector<16xf32>
      %add3A_495 = arith.addf %add3A_491, %gather3A_494 : vector<16xf32>
      %broadcast_in_dim3A_496 = vector.shape_cast %and3A_35 : vector<16xi32> to vector<16x1xi32>
      %gather3A_497 = vector.shape_cast %broadcast_in_dim3A_496 : vector<16x1xi32> to vector<16xi32>
      %gather3A_498 = tpu.dynamic_gather %add3A_495[%gather3A_497] in [0] : vector<16xf32>, vector<16xi32> -> vector<16xf32>
      %add3A_499 = arith.addf %add3A_495, %gather3A_498 : vector<16xf32>
      %broadcast_in_dim3A_500 = vector.shape_cast %and3A_41 : vector<16xi32> to vector<16x1xi32>
      %gather3A_501 = vector.shape_cast %broadcast_in_dim3A_500 : vector<16x1xi32> to vector<16xi32>
      %gather3A_502 = tpu.dynamic_gather %add3A_499[%gather3A_501] in [0] : vector<16xf32>, vector<16xi32> -> vector<16xf32>
      %add3A_503 = arith.addf %add3A_499, %gather3A_502 : vector<16xf32>
      %broadcast_in_dim3A_504 = vector.shape_cast %and3A_47 : vector<16xi32> to vector<16x1xi32>
      %gather3A_505 = vector.shape_cast %broadcast_in_dim3A_504 : vector<16x1xi32> to vector<16xi32>
      %gather3A_506 = tpu.dynamic_gather %add3A_503[%gather3A_505] in [0] : vector<16xf32>, vector<16xi32> -> vector<16xf32>
      %add3A_507 = arith.addf %add3A_503, %gather3A_506 : vector<16xf32>
      %eq3A_508 = arith.constant 8 : i32
      %eq3A_509 = vector.broadcast %eq3A_508 : i32 to vector<16xi32>
      %eq3A_510 = arith.cmpi eq, %iota3A, %eq3A_509 : vector<16xi32>
      %select_n3A_511 = arith.select %eq3A_510, %add3A_507, %select_n3A_460 : vector<16xi1>, vector<16xf32>
      %add3A_512 = arith.constant 9 : i32
      %add3A_513 = arith.addi %mul3A_57, %add3A_512 : i32
      %get3A_514 = arith.index_cast %add3A_513 : i32 to index
      %get3A_515 = arith.constant 0 : index
      %get3A_516 = tpu.vector_load %arg11[%get3A_514, %get3A_515] {strides = array<i32>} : memref<512x32xf32, #tpu.memory_space<vmem>>, vector<1x16xf32>,
      %get3A_517 = vector.shape_cast %get3A_516 : vector<1x16xf32> to vector<16xf32>
      %get3A_518 = arith.index_cast %add3A_513 : i32 to index
      %get3A_519 = arith.constant 16 : index
      %get3A_520 = tpu.vector_load %arg11[%get3A_518, %get3A_519] {strides = array<i32>} : memref<512x32xf32, #tpu.memory_space<vmem>>, vector<1x16xf32>,
      %get3A_521 = vector.shape_cast %get3A_520 : vector<1x16xf32> to vector<16xf32>
      %get3A_522 = arith.index_cast %add3A_513 : i32 to index
      %get3A_523 = arith.constant 0 : index
      %get3A_524 = tpu.vector_load %arg12[%get3A_522, %get3A_523] {strides = array<i32>} : memref<512x32xf32, #tpu.memory_space<vmem>>, vector<1x16xf32>,
      %get3A_525 = vector.shape_cast %get3A_524 : vector<1x16xf32> to vector<16xf32>
      %get3A_526 = arith.index_cast %add3A_513 : i32 to index
      %get3A_527 = arith.constant 16 : index
      %get3A_528 = tpu.vector_load %arg12[%get3A_526, %get3A_527] {strides = array<i32>} : memref<512x32xf32, #tpu.memory_space<vmem>>, vector<1x16xf32>,
      %get3A_529 = vector.shape_cast %get3A_528 : vector<1x16xf32> to vector<16xf32>
      %get3A_530 = arith.index_cast %add3A_513 : i32 to index
      %get3A_531 = arith.constant 0 : index
      %get3A_532 = tpu.vector_load %arg13[%get3A_530, %get3A_531] {strides = array<i32>} : memref<512x32xf32, #tpu.memory_space<vmem>>, vector<1x16xf32>,
      %get3A_533 = vector.shape_cast %get3A_532 : vector<1x16xf32> to vector<16xf32>
      %get3A_534 = arith.index_cast %add3A_513 : i32 to index
      %get3A_535 = arith.constant 16 : index
      %get3A_536 = tpu.vector_load %arg13[%get3A_534, %get3A_535] {strides = array<i32>} : memref<512x32xf32, #tpu.memory_space<vmem>>, vector<1x16xf32>,
      %get3A_537 = vector.shape_cast %get3A_536 : vector<1x16xf32> to vector<16xf32>
      %sub3A_538 = arith.subf %get3A_525, %get3A_533 : vector<16xf32>
      %mul3A_539 = arith.mulf %get3A_517, %sub3A_538 : vector<16xf32>
      %sub3A_540 = arith.subf %get3A_529, %get3A_537 : vector<16xf32>
      %mul3A_541 = arith.mulf %get3A_521, %sub3A_540 : vector<16xf32>
      %add3A_542 = arith.addf %mul3A_539, %mul3A_541 : vector<16xf32>
      %broadcast_in_dim3A_543 = vector.shape_cast %and3A_29 : vector<16xi32> to vector<16x1xi32>
      %gather3A_544 = vector.shape_cast %broadcast_in_dim3A_543 : vector<16x1xi32> to vector<16xi32>
      %gather3A_545 = tpu.dynamic_gather %add3A_542[%gather3A_544] in [0] : vector<16xf32>, vector<16xi32> -> vector<16xf32>
      %add3A_546 = arith.addf %add3A_542, %gather3A_545 : vector<16xf32>
      %broadcast_in_dim3A_547 = vector.shape_cast %and3A_35 : vector<16xi32> to vector<16x1xi32>
      %gather3A_548 = vector.shape_cast %broadcast_in_dim3A_547 : vector<16x1xi32> to vector<16xi32>
      %gather3A_549 = tpu.dynamic_gather %add3A_546[%gather3A_548] in [0] : vector<16xf32>, vector<16xi32> -> vector<16xf32>
      %add3A_550 = arith.addf %add3A_546, %gather3A_549 : vector<16xf32>
      %broadcast_in_dim3A_551 = vector.shape_cast %and3A_41 : vector<16xi32> to vector<16x1xi32>
      %gather3A_552 = vector.shape_cast %broadcast_in_dim3A_551 : vector<16x1xi32> to vector<16xi32>
      %gather3A_553 = tpu.dynamic_gather %add3A_550[%gather3A_552] in [0] : vector<16xf32>, vector<16xi32> -> vector<16xf32>
      %add3A_554 = arith.addf %add3A_550, %gather3A_553 : vector<16xf32>
      %broadcast_in_dim3A_555 = vector.shape_cast %and3A_47 : vector<16xi32> to vector<16x1xi32>
      %gather3A_556 = vector.shape_cast %broadcast_in_dim3A_555 : vector<16x1xi32> to vector<16xi32>
      %gather3A_557 = tpu.dynamic_gather %add3A_554[%gather3A_556] in [0] : vector<16xf32>, vector<16xi32> -> vector<16xf32>
      %add3A_558 = arith.addf %add3A_554, %gather3A_557 : vector<16xf32>
      %eq3A_559 = arith.constant 9 : i32
      %eq3A_560 = vector.broadcast %eq3A_559 : i32 to vector<16xi32>
      %eq3A_561 = arith.cmpi eq, %iota3A, %eq3A_560 : vector<16xi32>
      %select_n3A_562 = arith.select %eq3A_561, %add3A_558, %select_n3A_511 : vector<16xi1>, vector<16xf32>
      %add3A_563 = arith.constant 10 : i32
      %add3A_564 = arith.addi %mul3A_57, %add3A_563 : i32
      %get3A_565 = arith.index_cast %add3A_564 : i32 to index
      %get3A_566 = arith.constant 0 : index
      %get3A_567 = tpu.vector_load %arg11[%get3A_565, %get3A_566] {strides = array<i32>} : memref<512x32xf32, #tpu.memory_space<vmem>>, vector<1x16xf32>,
      %get3A_568 = vector.shape_cast %get3A_567 : vector<1x16xf32> to vector<16xf32>
      %get3A_569 = arith.index_cast %add3A_564 : i32 to index
      %get3A_570 = arith.constant 16 : index
      %get3A_571 = tpu.vector_load %arg11[%get3A_569, %get3A_570] {strides = array<i32>} : memref<512x32xf32, #tpu.memory_space<vmem>>, vector<1x16xf32>,
      %get3A_572 = vector.shape_cast %get3A_571 : vector<1x16xf32> to vector<16xf32>
      %get3A_573 = arith.index_cast %add3A_564 : i32 to index
      %get3A_574 = arith.constant 0 : index
      %get3A_575 = tpu.vector_load %arg12[%get3A_573, %get3A_574] {strides = array<i32>} : memref<512x32xf32, #tpu.memory_space<vmem>>, vector<1x16xf32>,
      %get3A_576 = vector.shape_cast %get3A_575 : vector<1x16xf32> to vector<16xf32>
      %get3A_577 = arith.index_cast %add3A_564 : i32 to index
      %get3A_578 = arith.constant 16 : index
      %get3A_579 = tpu.vector_load %arg12[%get3A_577, %get3A_578] {strides = array<i32>} : memref<512x32xf32, #tpu.memory_space<vmem>>, vector<1x16xf32>,
      %get3A_580 = vector.shape_cast %get3A_579 : vector<1x16xf32> to vector<16xf32>
      %get3A_581 = arith.index_cast %add3A_564 : i32 to index
      %get3A_582 = arith.constant 0 : index
      %get3A_583 = tpu.vector_load %arg13[%get3A_581, %get3A_582] {strides = array<i32>} : memref<512x32xf32, #tpu.memory_space<vmem>>, vector<1x16xf32>,
      %get3A_584 = vector.shape_cast %get3A_583 : vector<1x16xf32> to vector<16xf32>
      %get3A_585 = arith.index_cast %add3A_564 : i32 to index
      %get3A_586 = arith.constant 16 : index
      %get3A_587 = tpu.vector_load %arg13[%get3A_585, %get3A_586] {strides = array<i32>} : memref<512x32xf32, #tpu.memory_space<vmem>>, vector<1x16xf32>,
      %get3A_588 = vector.shape_cast %get3A_587 : vector<1x16xf32> to vector<16xf32>
      %sub3A_589 = arith.subf %get3A_576, %get3A_584 : vector<16xf32>
      %mul3A_590 = arith.mulf %get3A_568, %sub3A_589 : vector<16xf32>
      %sub3A_591 = arith.subf %get3A_580, %get3A_588 : vector<16xf32>
      %mul3A_592 = arith.mulf %get3A_572, %sub3A_591 : vector<16xf32>
      %add3A_593 = arith.addf %mul3A_590, %mul3A_592 : vector<16xf32>
      %broadcast_in_dim3A_594 = vector.shape_cast %and3A_29 : vector<16xi32> to vector<16x1xi32>
      %gather3A_595 = vector.shape_cast %broadcast_in_dim3A_594 : vector<16x1xi32> to vector<16xi32>
      %gather3A_596 = tpu.dynamic_gather %add3A_593[%gather3A_595] in [0] : vector<16xf32>, vector<16xi32> -> vector<16xf32>
      %add3A_597 = arith.addf %add3A_593, %gather3A_596 : vector<16xf32>
      %broadcast_in_dim3A_598 = vector.shape_cast %and3A_35 : vector<16xi32> to vector<16x1xi32>
      %gather3A_599 = vector.shape_cast %broadcast_in_dim3A_598 : vector<16x1xi32> to vector<16xi32>
      %gather3A_600 = tpu.dynamic_gather %add3A_597[%gather3A_599] in [0] : vector<16xf32>, vector<16xi32> -> vector<16xf32>
      %add3A_601 = arith.addf %add3A_597, %gather3A_600 : vector<16xf32>
      %broadcast_in_dim3A_602 = vector.shape_cast %and3A_41 : vector<16xi32> to vector<16x1xi32>
      %gather3A_603 = vector.shape_cast %broadcast_in_dim3A_602 : vector<16x1xi32> to vector<16xi32>
      %gather3A_604 = tpu.dynamic_gather %add3A_601[%gather3A_603] in [0] : vector<16xf32>, vector<16xi32> -> vector<16xf32>
      %add3A_605 = arith.addf %add3A_601, %gather3A_604 : vector<16xf32>
      %broadcast_in_dim3A_606 = vector.shape_cast %and3A_47 : vector<16xi32> to vector<16x1xi32>
      %gather3A_607 = vector.shape_cast %broadcast_in_dim3A_606 : vector<16x1xi32> to vector<16xi32>
      %gather3A_608 = tpu.dynamic_gather %add3A_605[%gather3A_607] in [0] : vector<16xf32>, vector<16xi32> -> vector<16xf32>
      %add3A_609 = arith.addf %add3A_605, %gather3A_608 : vector<16xf32>
      %eq3A_610 = arith.constant 10 : i32
      %eq3A_611 = vector.broadcast %eq3A_610 : i32 to vector<16xi32>
      %eq3A_612 = arith.cmpi eq, %iota3A, %eq3A_611 : vector<16xi32>
      %select_n3A_613 = arith.select %eq3A_612, %add3A_609, %select_n3A_562 : vector<16xi1>, vector<16xf32>
      %add3A_614 = arith.constant 11 : i32
      %add3A_615 = arith.addi %mul3A_57, %add3A_614 : i32
      %get3A_616 = arith.index_cast %add3A_615 : i32 to index
      %get3A_617 = arith.constant 0 : index
      %get3A_618 = tpu.vector_load %arg11[%get3A_616, %get3A_617] {strides = array<i32>} : memref<512x32xf32, #tpu.memory_space<vmem>>, vector<1x16xf32>,
      %get3A_619 = vector.shape_cast %get3A_618 : vector<1x16xf32> to vector<16xf32>
      %get3A_620 = arith.index_cast %add3A_615 : i32 to index
      %get3A_621 = arith.constant 16 : index
      %get3A_622 = tpu.vector_load %arg11[%get3A_620, %get3A_621] {strides = array<i32>} : memref<512x32xf32, #tpu.memory_space<vmem>>, vector<1x16xf32>,
      %get3A_623 = vector.shape_cast %get3A_622 : vector<1x16xf32> to vector<16xf32>
      %get3A_624 = arith.index_cast %add3A_615 : i32 to index
      %get3A_625 = arith.constant 0 : index
      %get3A_626 = tpu.vector_load %arg12[%get3A_624, %get3A_625] {strides = array<i32>} : memref<512x32xf32, #tpu.memory_space<vmem>>, vector<1x16xf32>,
      %get3A_627 = vector.shape_cast %get3A_626 : vector<1x16xf32> to vector<16xf32>
      %get3A_628 = arith.index_cast %add3A_615 : i32 to index
      %get3A_629 = arith.constant 16 : index
      %get3A_630 = tpu.vector_load %arg12[%get3A_628, %get3A_629] {strides = array<i32>} : memref<512x32xf32, #tpu.memory_space<vmem>>, vector<1x16xf32>,
      %get3A_631 = vector.shape_cast %get3A_630 : vector<1x16xf32> to vector<16xf32>
      %get3A_632 = arith.index_cast %add3A_615 : i32 to index
      %get3A_633 = arith.constant 0 : index
      %get3A_634 = tpu.vector_load %arg13[%get3A_632, %get3A_633] {strides = array<i32>} : memref<512x32xf32, #tpu.memory_space<vmem>>, vector<1x16xf32>,
      %get3A_635 = vector.shape_cast %get3A_634 : vector<1x16xf32> to vector<16xf32>
      %get3A_636 = arith.index_cast %add3A_615 : i32 to index
      %get3A_637 = arith.constant 16 : index
      %get3A_638 = tpu.vector_load %arg13[%get3A_636, %get3A_637] {strides = array<i32>} : memref<512x32xf32, #tpu.memory_space<vmem>>, vector<1x16xf32>,
      %get3A_639 = vector.shape_cast %get3A_638 : vector<1x16xf32> to vector<16xf32>
      %sub3A_640 = arith.subf %get3A_627, %get3A_635 : vector<16xf32>
      %mul3A_641 = arith.mulf %get3A_619, %sub3A_640 : vector<16xf32>
      %sub3A_642 = arith.subf %get3A_631, %get3A_639 : vector<16xf32>
      %mul3A_643 = arith.mulf %get3A_623, %sub3A_642 : vector<16xf32>
      %add3A_644 = arith.addf %mul3A_641, %mul3A_643 : vector<16xf32>
      %broadcast_in_dim3A_645 = vector.shape_cast %and3A_29 : vector<16xi32> to vector<16x1xi32>
      %gather3A_646 = vector.shape_cast %broadcast_in_dim3A_645 : vector<16x1xi32> to vector<16xi32>
      %gather3A_647 = tpu.dynamic_gather %add3A_644[%gather3A_646] in [0] : vector<16xf32>, vector<16xi32> -> vector<16xf32>
      %add3A_648 = arith.addf %add3A_644, %gather3A_647 : vector<16xf32>
      %broadcast_in_dim3A_649 = vector.shape_cast %and3A_35 : vector<16xi32> to vector<16x1xi32>
      %gather3A_650 = vector.shape_cast %broadcast_in_dim3A_649 : vector<16x1xi32> to vector<16xi32>
      %gather3A_651 = tpu.dynamic_gather %add3A_648[%gather3A_650] in [0] : vector<16xf32>, vector<16xi32> -> vector<16xf32>
      %add3A_652 = arith.addf %add3A_648, %gather3A_651 : vector<16xf32>
      %broadcast_in_dim3A_653 = vector.shape_cast %and3A_41 : vector<16xi32> to vector<16x1xi32>
      %gather3A_654 = vector.shape_cast %broadcast_in_dim3A_653 : vector<16x1xi32> to vector<16xi32>
      %gather3A_655 = tpu.dynamic_gather %add3A_652[%gather3A_654] in [0] : vector<16xf32>, vector<16xi32> -> vector<16xf32>
      %add3A_656 = arith.addf %add3A_652, %gather3A_655 : vector<16xf32>
      %broadcast_in_dim3A_657 = vector.shape_cast %and3A_47 : vector<16xi32> to vector<16x1xi32>
      %gather3A_658 = vector.shape_cast %broadcast_in_dim3A_657 : vector<16x1xi32> to vector<16xi32>
      %gather3A_659 = tpu.dynamic_gather %add3A_656[%gather3A_658] in [0] : vector<16xf32>, vector<16xi32> -> vector<16xf32>
      %add3A_660 = arith.addf %add3A_656, %gather3A_659 : vector<16xf32>
      %eq3A_661 = arith.constant 11 : i32
      %eq3A_662 = vector.broadcast %eq3A_661 : i32 to vector<16xi32>
      %eq3A_663 = arith.cmpi eq, %iota3A, %eq3A_662 : vector<16xi32>
      %select_n3A_664 = arith.select %eq3A_663, %add3A_660, %select_n3A_613 : vector<16xi1>, vector<16xf32>
      %add3A_665 = arith.constant 12 : i32
      %add3A_666 = arith.addi %mul3A_57, %add3A_665 : i32
      %get3A_667 = arith.index_cast %add3A_666 : i32 to index
      %get3A_668 = arith.constant 0 : index
      %get3A_669 = tpu.vector_load %arg11[%get3A_667, %get3A_668] {strides = array<i32>} : memref<512x32xf32, #tpu.memory_space<vmem>>, vector<1x16xf32>,
      %get3A_670 = vector.shape_cast %get3A_669 : vector<1x16xf32> to vector<16xf32>
      %get3A_671 = arith.index_cast %add3A_666 : i32 to index
      %get3A_672 = arith.constant 16 : index
      %get3A_673 = tpu.vector_load %arg11[%get3A_671, %get3A_672] {strides = array<i32>} : memref<512x32xf32, #tpu.memory_space<vmem>>, vector<1x16xf32>,
      %get3A_674 = vector.shape_cast %get3A_673 : vector<1x16xf32> to vector<16xf32>
      %get3A_675 = arith.index_cast %add3A_666 : i32 to index
      %get3A_676 = arith.constant 0 : index
      %get3A_677 = tpu.vector_load %arg12[%get3A_675, %get3A_676] {strides = array<i32>} : memref<512x32xf32, #tpu.memory_space<vmem>>, vector<1x16xf32>,
      %get3A_678 = vector.shape_cast %get3A_677 : vector<1x16xf32> to vector<16xf32>
      %get3A_679 = arith.index_cast %add3A_666 : i32 to index
      %get3A_680 = arith.constant 16 : index
      %get3A_681 = tpu.vector_load %arg12[%get3A_679, %get3A_680] {strides = array<i32>} : memref<512x32xf32, #tpu.memory_space<vmem>>, vector<1x16xf32>,
      %get3A_682 = vector.shape_cast %get3A_681 : vector<1x16xf32> to vector<16xf32>
      %get3A_683 = arith.index_cast %add3A_666 : i32 to index
      %get3A_684 = arith.constant 0 : index
      %get3A_685 = tpu.vector_load %arg13[%get3A_683, %get3A_684] {strides = array<i32>} : memref<512x32xf32, #tpu.memory_space<vmem>>, vector<1x16xf32>,
      %get3A_686 = vector.shape_cast %get3A_685 : vector<1x16xf32> to vector<16xf32>
      %get3A_687 = arith.index_cast %add3A_666 : i32 to index
      %get3A_688 = arith.constant 16 : index
      %get3A_689 = tpu.vector_load %arg13[%get3A_687, %get3A_688] {strides = array<i32>} : memref<512x32xf32, #tpu.memory_space<vmem>>, vector<1x16xf32>,
      %get3A_690 = vector.shape_cast %get3A_689 : vector<1x16xf32> to vector<16xf32>
      %sub3A_691 = arith.subf %get3A_678, %get3A_686 : vector<16xf32>
      %mul3A_692 = arith.mulf %get3A_670, %sub3A_691 : vector<16xf32>
      %sub3A_693 = arith.subf %get3A_682, %get3A_690 : vector<16xf32>
      %mul3A_694 = arith.mulf %get3A_674, %sub3A_693 : vector<16xf32>
      %add3A_695 = arith.addf %mul3A_692, %mul3A_694 : vector<16xf32>
      %broadcast_in_dim3A_696 = vector.shape_cast %and3A_29 : vector<16xi32> to vector<16x1xi32>
      %gather3A_697 = vector.shape_cast %broadcast_in_dim3A_696 : vector<16x1xi32> to vector<16xi32>
      %gather3A_698 = tpu.dynamic_gather %add3A_695[%gather3A_697] in [0] : vector<16xf32>, vector<16xi32> -> vector<16xf32>
      %add3A_699 = arith.addf %add3A_695, %gather3A_698 : vector<16xf32>
      %broadcast_in_dim3A_700 = vector.shape_cast %and3A_35 : vector<16xi32> to vector<16x1xi32>
      %gather3A_701 = vector.shape_cast %broadcast_in_dim3A_700 : vector<16x1xi32> to vector<16xi32>
      %gather3A_702 = tpu.dynamic_gather %add3A_699[%gather3A_701] in [0] : vector<16xf32>, vector<16xi32> -> vector<16xf32>
      %add3A_703 = arith.addf %add3A_699, %gather3A_702 : vector<16xf32>
      %broadcast_in_dim3A_704 = vector.shape_cast %and3A_41 : vector<16xi32> to vector<16x1xi32>
      %gather3A_705 = vector.shape_cast %broadcast_in_dim3A_704 : vector<16x1xi32> to vector<16xi32>
      %gather3A_706 = tpu.dynamic_gather %add3A_703[%gather3A_705] in [0] : vector<16xf32>, vector<16xi32> -> vector<16xf32>
      %add3A_707 = arith.addf %add3A_703, %gather3A_706 : vector<16xf32>
      %broadcast_in_dim3A_708 = vector.shape_cast %and3A_47 : vector<16xi32> to vector<16x1xi32>
      %gather3A_709 = vector.shape_cast %broadcast_in_dim3A_708 : vector<16x1xi32> to vector<16xi32>
      %gather3A_710 = tpu.dynamic_gather %add3A_707[%gather3A_709] in [0] : vector<16xf32>, vector<16xi32> -> vector<16xf32>
      %add3A_711 = arith.addf %add3A_707, %gather3A_710 : vector<16xf32>
      %eq3A_712 = arith.constant 12 : i32
      %eq3A_713 = vector.broadcast %eq3A_712 : i32 to vector<16xi32>
      %eq3A_714 = arith.cmpi eq, %iota3A, %eq3A_713 : vector<16xi32>
      %select_n3A_715 = arith.select %eq3A_714, %add3A_711, %select_n3A_664 : vector<16xi1>, vector<16xf32>
      %add3A_716 = arith.constant 13 : i32
      %add3A_717 = arith.addi %mul3A_57, %add3A_716 : i32
      %get3A_718 = arith.index_cast %add3A_717 : i32 to index
      %get3A_719 = arith.constant 0 : index
      %get3A_720 = tpu.vector_load %arg11[%get3A_718, %get3A_719] {strides = array<i32>} : memref<512x32xf32, #tpu.memory_space<vmem>>, vector<1x16xf32>,
      %get3A_721 = vector.shape_cast %get3A_720 : vector<1x16xf32> to vector<16xf32>
      %get3A_722 = arith.index_cast %add3A_717 : i32 to index
      %get3A_723 = arith.constant 16 : index
      %get3A_724 = tpu.vector_load %arg11[%get3A_722, %get3A_723] {strides = array<i32>} : memref<512x32xf32, #tpu.memory_space<vmem>>, vector<1x16xf32>,
      %get3A_725 = vector.shape_cast %get3A_724 : vector<1x16xf32> to vector<16xf32>
      %get3A_726 = arith.index_cast %add3A_717 : i32 to index
      %get3A_727 = arith.constant 0 : index
      %get3A_728 = tpu.vector_load %arg12[%get3A_726, %get3A_727] {strides = array<i32>} : memref<512x32xf32, #tpu.memory_space<vmem>>, vector<1x16xf32>,
      %get3A_729 = vector.shape_cast %get3A_728 : vector<1x16xf32> to vector<16xf32>
      %get3A_730 = arith.index_cast %add3A_717 : i32 to index
      %get3A_731 = arith.constant 16 : index
      %get3A_732 = tpu.vector_load %arg12[%get3A_730, %get3A_731] {strides = array<i32>} : memref<512x32xf32, #tpu.memory_space<vmem>>, vector<1x16xf32>,
      %get3A_733 = vector.shape_cast %get3A_732 : vector<1x16xf32> to vector<16xf32>
      %get3A_734 = arith.index_cast %add3A_717 : i32 to index
      %get3A_735 = arith.constant 0 : index
      %get3A_736 = tpu.vector_load %arg13[%get3A_734, %get3A_735] {strides = array<i32>} : memref<512x32xf32, #tpu.memory_space<vmem>>, vector<1x16xf32>,
      %get3A_737 = vector.shape_cast %get3A_736 : vector<1x16xf32> to vector<16xf32>
      %get3A_738 = arith.index_cast %add3A_717 : i32 to index
      %get3A_739 = arith.constant 16 : index
      %get3A_740 = tpu.vector_load %arg13[%get3A_738, %get3A_739] {strides = array<i32>} : memref<512x32xf32, #tpu.memory_space<vmem>>, vector<1x16xf32>,
      %get3A_741 = vector.shape_cast %get3A_740 : vector<1x16xf32> to vector<16xf32>
      %sub3A_742 = arith.subf %get3A_729, %get3A_737 : vector<16xf32>
      %mul3A_743 = arith.mulf %get3A_721, %sub3A_742 : vector<16xf32>
      %sub3A_744 = arith.subf %get3A_733, %get3A_741 : vector<16xf32>
      %mul3A_745 = arith.mulf %get3A_725, %sub3A_744 : vector<16xf32>
      %add3A_746 = arith.addf %mul3A_743, %mul3A_745 : vector<16xf32>
      %broadcast_in_dim3A_747 = vector.shape_cast %and3A_29 : vector<16xi32> to vector<16x1xi32>
      %gather3A_748 = vector.shape_cast %broadcast_in_dim3A_747 : vector<16x1xi32> to vector<16xi32>
      %gather3A_749 = tpu.dynamic_gather %add3A_746[%gather3A_748] in [0] : vector<16xf32>, vector<16xi32> -> vector<16xf32>
      %add3A_750 = arith.addf %add3A_746, %gather3A_749 : vector<16xf32>
      %broadcast_in_dim3A_751 = vector.shape_cast %and3A_35 : vector<16xi32> to vector<16x1xi32>
      %gather3A_752 = vector.shape_cast %broadcast_in_dim3A_751 : vector<16x1xi32> to vector<16xi32>
      %gather3A_753 = tpu.dynamic_gather %add3A_750[%gather3A_752] in [0] : vector<16xf32>, vector<16xi32> -> vector<16xf32>
      %add3A_754 = arith.addf %add3A_750, %gather3A_753 : vector<16xf32>
      %broadcast_in_dim3A_755 = vector.shape_cast %and3A_41 : vector<16xi32> to vector<16x1xi32>
      %gather3A_756 = vector.shape_cast %broadcast_in_dim3A_755 : vector<16x1xi32> to vector<16xi32>
      %gather3A_757 = tpu.dynamic_gather %add3A_754[%gather3A_756] in [0] : vector<16xf32>, vector<16xi32> -> vector<16xf32>
      %add3A_758 = arith.addf %add3A_754, %gather3A_757 : vector<16xf32>
      %broadcast_in_dim3A_759 = vector.shape_cast %and3A_47 : vector<16xi32> to vector<16x1xi32>
      %gather3A_760 = vector.shape_cast %broadcast_in_dim3A_759 : vector<16x1xi32> to vector<16xi32>
      %gather3A_761 = tpu.dynamic_gather %add3A_758[%gather3A_760] in [0] : vector<16xf32>, vector<16xi32> -> vector<16xf32>
      %add3A_762 = arith.addf %add3A_758, %gather3A_761 : vector<16xf32>
      %eq3A_763 = arith.constant 13 : i32
      %eq3A_764 = vector.broadcast %eq3A_763 : i32 to vector<16xi32>
      %eq3A_765 = arith.cmpi eq, %iota3A, %eq3A_764 : vector<16xi32>
      %select_n3A_766 = arith.select %eq3A_765, %add3A_762, %select_n3A_715 : vector<16xi1>, vector<16xf32>
      %add3A_767 = arith.constant 14 : i32
      %add3A_768 = arith.addi %mul3A_57, %add3A_767 : i32
      %get3A_769 = arith.index_cast %add3A_768 : i32 to index
      %get3A_770 = arith.constant 0 : index
      %get3A_771 = tpu.vector_load %arg11[%get3A_769, %get3A_770] {strides = array<i32>} : memref<512x32xf32, #tpu.memory_space<vmem>>, vector<1x16xf32>,
      %get3A_772 = vector.shape_cast %get3A_771 : vector<1x16xf32> to vector<16xf32>
      %get3A_773 = arith.index_cast %add3A_768 : i32 to index
      %get3A_774 = arith.constant 16 : index
      %get3A_775 = tpu.vector_load %arg11[%get3A_773, %get3A_774] {strides = array<i32>} : memref<512x32xf32, #tpu.memory_space<vmem>>, vector<1x16xf32>,
      %get3A_776 = vector.shape_cast %get3A_775 : vector<1x16xf32> to vector<16xf32>
      %get3A_777 = arith.index_cast %add3A_768 : i32 to index
      %get3A_778 = arith.constant 0 : index
      %get3A_779 = tpu.vector_load %arg12[%get3A_777, %get3A_778] {strides = array<i32>} : memref<512x32xf32, #tpu.memory_space<vmem>>, vector<1x16xf32>,
      %get3A_780 = vector.shape_cast %get3A_779 : vector<1x16xf32> to vector<16xf32>
      %get3A_781 = arith.index_cast %add3A_768 : i32 to index
      %get3A_782 = arith.constant 16 : index
      %get3A_783 = tpu.vector_load %arg12[%get3A_781, %get3A_782] {strides = array<i32>} : memref<512x32xf32, #tpu.memory_space<vmem>>, vector<1x16xf32>,
      %get3A_784 = vector.shape_cast %get3A_783 : vector<1x16xf32> to vector<16xf32>
      %get3A_785 = arith.index_cast %add3A_768 : i32 to index
      %get3A_786 = arith.constant 0 : index
      %get3A_787 = tpu.vector_load %arg13[%get3A_785, %get3A_786] {strides = array<i32>} : memref<512x32xf32, #tpu.memory_space<vmem>>, vector<1x16xf32>,
      %get3A_788 = vector.shape_cast %get3A_787 : vector<1x16xf32> to vector<16xf32>
      %get3A_789 = arith.index_cast %add3A_768 : i32 to index
      %get3A_790 = arith.constant 16 : index
      %get3A_791 = tpu.vector_load %arg13[%get3A_789, %get3A_790] {strides = array<i32>} : memref<512x32xf32, #tpu.memory_space<vmem>>, vector<1x16xf32>,
      %get3A_792 = vector.shape_cast %get3A_791 : vector<1x16xf32> to vector<16xf32>
      %sub3A_793 = arith.subf %get3A_780, %get3A_788 : vector<16xf32>
      %mul3A_794 = arith.mulf %get3A_772, %sub3A_793 : vector<16xf32>
      %sub3A_795 = arith.subf %get3A_784, %get3A_792 : vector<16xf32>
      %mul3A_796 = arith.mulf %get3A_776, %sub3A_795 : vector<16xf32>
      %add3A_797 = arith.addf %mul3A_794, %mul3A_796 : vector<16xf32>
      %broadcast_in_dim3A_798 = vector.shape_cast %and3A_29 : vector<16xi32> to vector<16x1xi32>
      %gather3A_799 = vector.shape_cast %broadcast_in_dim3A_798 : vector<16x1xi32> to vector<16xi32>
      %gather3A_800 = tpu.dynamic_gather %add3A_797[%gather3A_799] in [0] : vector<16xf32>, vector<16xi32> -> vector<16xf32>
      %add3A_801 = arith.addf %add3A_797, %gather3A_800 : vector<16xf32>
      %broadcast_in_dim3A_802 = vector.shape_cast %and3A_35 : vector<16xi32> to vector<16x1xi32>
      %gather3A_803 = vector.shape_cast %broadcast_in_dim3A_802 : vector<16x1xi32> to vector<16xi32>
      %gather3A_804 = tpu.dynamic_gather %add3A_801[%gather3A_803] in [0] : vector<16xf32>, vector<16xi32> -> vector<16xf32>
      %add3A_805 = arith.addf %add3A_801, %gather3A_804 : vector<16xf32>
      %broadcast_in_dim3A_806 = vector.shape_cast %and3A_41 : vector<16xi32> to vector<16x1xi32>
      %gather3A_807 = vector.shape_cast %broadcast_in_dim3A_806 : vector<16x1xi32> to vector<16xi32>
      %gather3A_808 = tpu.dynamic_gather %add3A_805[%gather3A_807] in [0] : vector<16xf32>, vector<16xi32> -> vector<16xf32>
      %add3A_809 = arith.addf %add3A_805, %gather3A_808 : vector<16xf32>
      %broadcast_in_dim3A_810 = vector.shape_cast %and3A_47 : vector<16xi32> to vector<16x1xi32>
      %gather3A_811 = vector.shape_cast %broadcast_in_dim3A_810 : vector<16x1xi32> to vector<16xi32>
      %gather3A_812 = tpu.dynamic_gather %add3A_809[%gather3A_811] in [0] : vector<16xf32>, vector<16xi32> -> vector<16xf32>
      %add3A_813 = arith.addf %add3A_809, %gather3A_812 : vector<16xf32>
      %eq3A_814 = arith.constant 14 : i32
      %eq3A_815 = vector.broadcast %eq3A_814 : i32 to vector<16xi32>
      %eq3A_816 = arith.cmpi eq, %iota3A, %eq3A_815 : vector<16xi32>
      %select_n3A_817 = arith.select %eq3A_816, %add3A_813, %select_n3A_766 : vector<16xi1>, vector<16xf32>
      %add3A_818 = arith.constant 15 : i32
      %add3A_819 = arith.addi %mul3A_57, %add3A_818 : i32
      %get3A_820 = arith.index_cast %add3A_819 : i32 to index
      %get3A_821 = arith.constant 0 : index
      %get3A_822 = tpu.vector_load %arg11[%get3A_820, %get3A_821] {strides = array<i32>} : memref<512x32xf32, #tpu.memory_space<vmem>>, vector<1x16xf32>,
      %get3A_823 = vector.shape_cast %get3A_822 : vector<1x16xf32> to vector<16xf32>
      %get3A_824 = arith.index_cast %add3A_819 : i32 to index
      %get3A_825 = arith.constant 16 : index
      %get3A_826 = tpu.vector_load %arg11[%get3A_824, %get3A_825] {strides = array<i32>} : memref<512x32xf32, #tpu.memory_space<vmem>>, vector<1x16xf32>,
      %get3A_827 = vector.shape_cast %get3A_826 : vector<1x16xf32> to vector<16xf32>
      %get3A_828 = arith.index_cast %add3A_819 : i32 to index
      %get3A_829 = arith.constant 0 : index
      %get3A_830 = tpu.vector_load %arg12[%get3A_828, %get3A_829] {strides = array<i32>} : memref<512x32xf32, #tpu.memory_space<vmem>>, vector<1x16xf32>,
      %get3A_831 = vector.shape_cast %get3A_830 : vector<1x16xf32> to vector<16xf32>
      %get3A_832 = arith.index_cast %add3A_819 : i32 to index
      %get3A_833 = arith.constant 16 : index
      %get3A_834 = tpu.vector_load %arg12[%get3A_832, %get3A_833] {strides = array<i32>} : memref<512x32xf32, #tpu.memory_space<vmem>>, vector<1x16xf32>,
      %get3A_835 = vector.shape_cast %get3A_834 : vector<1x16xf32> to vector<16xf32>
      %get3A_836 = arith.index_cast %add3A_819 : i32 to index
      %get3A_837 = arith.constant 0 : index
      %get3A_838 = tpu.vector_load %arg13[%get3A_836, %get3A_837] {strides = array<i32>} : memref<512x32xf32, #tpu.memory_space<vmem>>, vector<1x16xf32>,
      %get3A_839 = vector.shape_cast %get3A_838 : vector<1x16xf32> to vector<16xf32>
      %get3A_840 = arith.index_cast %add3A_819 : i32 to index
      %get3A_841 = arith.constant 16 : index
      %get3A_842 = tpu.vector_load %arg13[%get3A_840, %get3A_841] {strides = array<i32>} : memref<512x32xf32, #tpu.memory_space<vmem>>, vector<1x16xf32>,
      %get3A_843 = vector.shape_cast %get3A_842 : vector<1x16xf32> to vector<16xf32>
      %sub3A_844 = arith.subf %get3A_831, %get3A_839 : vector<16xf32>
      %mul3A_845 = arith.mulf %get3A_823, %sub3A_844 : vector<16xf32>
      %sub3A_846 = arith.subf %get3A_835, %get3A_843 : vector<16xf32>
      %mul3A_847 = arith.mulf %get3A_827, %sub3A_846 : vector<16xf32>
      %add3A_848 = arith.addf %mul3A_845, %mul3A_847 : vector<16xf32>
      %broadcast_in_dim3A_849 = vector.shape_cast %and3A_29 : vector<16xi32> to vector<16x1xi32>
      %gather3A_850 = vector.shape_cast %broadcast_in_dim3A_849 : vector<16x1xi32> to vector<16xi32>
      %gather3A_851 = tpu.dynamic_gather %add3A_848[%gather3A_850] in [0] : vector<16xf32>, vector<16xi32> -> vector<16xf32>
      %add3A_852 = arith.addf %add3A_848, %gather3A_851 : vector<16xf32>
      %broadcast_in_dim3A_853 = vector.shape_cast %and3A_35 : vector<16xi32> to vector<16x1xi32>
      %gather3A_854 = vector.shape_cast %broadcast_in_dim3A_853 : vector<16x1xi32> to vector<16xi32>
      %gather3A_855 = tpu.dynamic_gather %add3A_852[%gather3A_854] in [0] : vector<16xf32>, vector<16xi32> -> vector<16xf32>
      %add3A_856 = arith.addf %add3A_852, %gather3A_855 : vector<16xf32>
      %broadcast_in_dim3A_857 = vector.shape_cast %and3A_41 : vector<16xi32> to vector<16x1xi32>
      %gather3A_858 = vector.shape_cast %broadcast_in_dim3A_857 : vector<16x1xi32> to vector<16xi32>
      %gather3A_859 = tpu.dynamic_gather %add3A_856[%gather3A_858] in [0] : vector<16xf32>, vector<16xi32> -> vector<16xf32>
      %add3A_860 = arith.addf %add3A_856, %gather3A_859 : vector<16xf32>
      %broadcast_in_dim3A_861 = vector.shape_cast %and3A_47 : vector<16xi32> to vector<16x1xi32>
      %gather3A_862 = vector.shape_cast %broadcast_in_dim3A_861 : vector<16x1xi32> to vector<16xi32>
      %gather3A_863 = tpu.dynamic_gather %add3A_860[%gather3A_862] in [0] : vector<16xf32>, vector<16xi32> -> vector<16xf32>
      %add3A_864 = arith.addf %add3A_860, %gather3A_863 : vector<16xf32>
      %eq3A_865 = arith.constant 15 : i32
      %eq3A_866 = vector.broadcast %eq3A_865 : i32 to vector<16xi32>
      %eq3A_867 = arith.cmpi eq, %iota3A, %eq3A_866 : vector<16xi32>
      %select_n3A_868 = arith.select %eq3A_867, %add3A_864, %select_n3A_817 : vector<16xi1>, vector<16xf32>
      %neg3A = arith.constant 0.000000e+00 : f32
      %neg3A_869 = vector.broadcast %neg3A : f32 to vector<16xf32>
      %neg3A_870 = arith.subf %neg3A_869, %select_n3A_868 : vector<16xf32>
      %exp3A = math.exp %neg3A_870 : vector<16xf32>
      %add3A_871 = arith.constant 1.000000e+00 : f32
      %add3A_872 = vector.broadcast %add3A_871 : f32 to vector<16xf32>
      %add3A_873 = arith.addf %add3A_872, %exp3A : vector<16xf32>
      %div3A = arith.constant 1.000000e+00 : f32
      %div3A_874 = vector.broadcast %div3A : f32 to vector<16xf32>
      %div3A_875 = arith.divf %div3A_874, %add3A_873 : vector<16xf32>
      %swap3A = arith.index_cast %mul3A_57 : i32 to index
      %swap3A_876 = tpu.vector_load %arg14[%swap3A] {strides = array<i32>} : memref<512xf32, #tpu.memory_space<vmem>>, vector<16xf32>,
      %swap3A_877 = vector.shape_cast %swap3A_876 : vector<16xf32> to vector<16xf32>
      %swap3A_878 = vector.shape_cast %div3A_875 : vector<16xf32> to vector<16xf32>
      tpu.vector_store %arg14[%swap3A], %swap3A_878 {strides = array<i32>} : memref<512xf32, #tpu.memory_space<vmem>>, vector<16xf32>,
    }
    %scan3A_54 = arith.constant 32 : i32
    "tpu.region"() ({
      %run_scoped3A = tpu.sem_alloc : memref<!tpu.dma_semaphore, #tpu.memory_space<semaphore_mem>>
      %dma_start3A = tpu.memref_slice %arg7[%mul3A_2] : memref<16384xf32, #tpu.memory_space<hbm>> -> memref<512xf32, #tpu.memory_space<hbm>>
      %dma_start3A_55 = tpu.memref_slice %arg7[%mul3A_2] : memref<16384xf32, #tpu.memory_space<hbm>> -> memref<512xf32, #tpu.memory_space<hbm>>
      tpu.enqueue_dma source(%arg14 : memref<512xf32, #tpu.memory_space<vmem>>) target(%dma_start3A_55 : memref<512xf32, #tpu.memory_space<hbm>>) target_semaphore(%run_scoped3A : memref<!tpu.dma_semaphore, #tpu.memory_space<semaphore_mem>>)
      %dma_wait3A_56 = tpu.memref_slice %arg7[%mul3A_2] : memref<16384xf32, #tpu.memory_space<hbm>> -> memref<512xf32, #tpu.memory_space<hbm>>
      %dma_wait3A_57 = tpu.memref_slice %arg7[%mul3A_2] : memref<16384xf32, #tpu.memory_space<hbm>> -> memref<512xf32, #tpu.memory_space<hbm>>
      tpu.wait_dma2 semaphore(%run_scoped3A : memref<!tpu.dma_semaphore, #tpu.memory_space<semaphore_mem>>) src(%arg14 : memref<512xf32, #tpu.memory_space<vmem>>) dst(%dma_wait3A_57 : memref<512xf32, #tpu.memory_space<hbm>>)
      tpu.yield
    }) : () -> ()
    return
  }
}

</mosaic_0001>

<sc_bundles>
// kernel: _run.3.cloned.1.call-start
scs
__scs_entry_jumppad:
0x0: {  	(pc) =	sbr.rel $0x88, $3  }
0x1: {  	(tag) =	ssettag $0x0;
	lr =	simm.s32 $0x1  }
0x2: {  	[smem:$0x3F9C] =	sst lr;
	_ =	strace $0xD0000000  }
0x3: {  	_ = 	snop  }
0x4: {  	_ = 	snop  }
0x5: {  	_ = 	snop  }
0x6: {  	_ = 	snop  }
0x7: {  	_ = 	snop  }
__scs_overlays_trampoline_lowered:
0x8: {  	[smem:$0x3FAB] =	sst s0  }
0x9: {  	[smem:$0x3FAC] =	sst s1  }
0xa: {  	[smem:$0x3FAD] =	sst s2  }
0xb: {  	[smem:$0x3FAE] =	sst s3  }
0xc: {  	[smem:$0x3FAF] =	sst s4  }
0xd: {  	[smem:$0x3FB0] =	sst s5  }
0xe: {  	[smem:$0x3FB1] =	sst s6  }
0xf: {  	[smem:$0x3FB2] =	sst s7  }
0x10: {  	[smem:$0x3FB3] =	sst s8  }
0x11: {  	[smem:$0x3FB4] =	sst s9;
	s0 =	simm.s32 @!p0 $0x0  }
0x12: {  	s1 =	sld [smem:$0x3F9A];
	s0 =	simm.s32 @p0 $0x1  }
0x13: {  	[smem:$0x3FB5] =	sst s0;
	s0 =	simm.s32 @!p1 $0x0  }
0x14: {  	s2 =	sld [smem:$0x3F99];
	s0 =	simm.s32 @p1 $0x1  }
0x15: {  	[smem:$0x3FB6] =	sst s0;
	s0 =	simm.s32 @!p2 $0x0  }
0x16: {  	s3 =	sld [smem:$0x3FDB];
	s0 =	simm.s32 @p2 $0x1  }
0x17: {  	s4 =	simm.s32 $0x1BF5;
	[smem:$0x3FB8] =	sst s0  }
0x18: {  	s0 =	sld [smem:$0x3F9B];
	_ =	swait.ge [sflag:s4], $0x0  }
0x19: {  	s7 =	sld [smem:$0x3F9C]  }
0x1a: {  	s8 =	sadd.s32 $0xFFFFE003, lr  }
0x1b: {  	s9 =	sadd.s32 $0xFFFFFEF7, lr;
	s5 =	simm.s32 $0xFFFFFFFF;
	p2 =	slt.u32 s8, $0xFFFFF086  }
0x1c: {  	p1 =	slt.u32 s9, $0xF7A;
	s5 =	simm.s32 @!p2 $0x0  }
0x1d: {  	s5 =	simm.s32 @p1 $0x1;
	p0 =	seq.s32 s7, s2  }
0x1e: {  	s7 =	smul.u32 @!p0 $0xF7A, s2;
	p2 =	seq.s32 @!p0 s5, $0x0  }
0x1f: {  	s9 =	smul.u32 $0xF7A, s1;
	s8 =	simm.s32 @!p0 $0x1BF5;
	p2 =	por !p2, p0  }
0x20: {  	[sflag:s8] =	ssyncset.s32 @!p0 $0xFFFFF086;
	s6 =	sadd.s32 @!p0 s3, s7;
	s7 =	simm.s32 @!p0 $0x108  }
0x21: {  	s3 =	sadd.s32 s3, s9;
	s6 =	sadd.s32 @!p0 $0x88, s6;
	s7 =	simm.s32 @p2 $0x1082  }
0x22: {  	[simem:s7], [sflag:s8] =	dma.local @!p0 [hbm:s6], $0xF7A  }
0x23: {  	s9 =	sor.u32 $0xD0000000, s2;
	s6 =	simm.s32 $0x108;
	_ =	swait.ge @!p0 [sflag:s8], $0x0  }
0x24: {  	s3 =	sadd.s32 $0x88, s3;
	s6 =	simm.s32 @!p1 $0x1082;
	[sflag:s4] =	ssyncset.s32 $0xFFFFF086  }
0x25: {  	[simem:s6], [sflag:s4] =	dma.local [hbm:s3], $0xF7A  }
0x26: {  	[smem:$0x3F9C] =	sst s1;
	(tag) =	ssettag s2;
	_ =	strace s9  }
0x27: {  	s1 =	sld [smem:$0x3FAC]  }
0x28: {  	s2 =	sld [smem:$0x3FAD]  }
0x29: {  	s4 =	sld [smem:$0x3FAF]  }
0x2a: {  	p0 =	seq.s32 s5, $0x0;
	s5 =	sld [smem:$0x3FB0]  }
0x2b: {  	s6 =	sld [smem:$0x3FB1]  }
0x2c: {  	s7 =	sld [smem:$0x3FB2]  }
0x2d: {  	s3 =	simm.s32 $0x108;
	s8 =	sld [smem:$0x3FB3]  }
0x2e: {  	s3 =	simm.s32 @!p0 $0x1082;
	s9 =	sld [smem:$0x3FB4]  }
0x2f: {  	lr =	sadd.s32 s0, s3;
	s0 =	sld [smem:$0x3FAB]  }
0x30: {  	s3 =	sld [smem:$0x3FAE]  }
0x31: {  	[smem:$0x3FB7] =	sst s10  }
0x32: {  	s10 =	sld [smem:$0x3FB5];
	_ =	sdelay $0x3  }
0x33: {  	p0 =	seq.s32 s10, $0x1;
	s10 =	sld [smem:$0x3FB7];
	_ =	sdelay $0x3  }
0x34: {  	[smem:$0x3FB7] =	sst s10  }
0x35: {  	s10 =	sld [smem:$0x3FB6];
	_ =	sdelay $0x3  }
0x36: {  	p1 =	seq.s32 s10, $0x1;
	s10 =	sld [smem:$0x3FB7];
	_ =	sdelay $0x3  }
0x37: {  	[smem:$0x3FB7] =	sst s10  }
0x38: {  	s10 =	sld [smem:$0x3FB8]  }
0x39: {  	_ = 	snop;
	(pc) =	sbr.ind lr, $3  }
0x3a: {  	_ = 	snop  }
0x3b: {  	_ = 	snop  }
0x3c: {  	p2 =	seq.s32 s10, $0x1;
	s10 =	sld [smem:$0x3FB7]  }
0x3d: {  	_ =	shalt  }
0x3e: {  	_ =	shalt  }
0x3f: {  	_ =	shalt  }
0x40: {  	_ =	shalt  }
0x41: {  	_ =	shalt  }
0x42: {  	_ =	shalt  }
0x43: {  	_ =	shalt  }
0x44: {  	_ =	shalt  }
0x45: {  	_ =	shalt  }
0x46: {  	_ =	shalt  }
0x47: {  	_ =	shalt  }
0x48: {  	_ =	shalt  }
0x49: {  	_ =	shalt  }
0x4a: {  	_ =	shalt  }
0x4b: {  	_ =	shalt  }
0x4c: {  	_ =	shalt  }
0x4d: {  	_ =	shalt  }
0x4e: {  	_ =	shalt  }
0x4f: {  	_ =	shalt  }
0x50: {  	_ =	shalt  }
0x51: {  	_ =	shalt  }
0x52: {  	_ =	shalt  }
0x53: {  	_ =	shalt  }
0x54: {  	_ =	shalt  }
0x55: {  	_ =	shalt  }
0x56: {  	_ =	shalt  }
0x57: {  	_ =	shalt  }
0x58: {  	_ =	shalt  }
0x59: {  	_ =	shalt  }
0x5a: {  	_ =	shalt  }
0x5b: {  	_ =	shalt  }
0x5c: {  	_ =	shalt  }
0x5d: {  	_ =	shalt  }
0x5e: {  	_ =	shalt  }
0x5f: {  	_ =	shalt  }
0x60: {  	_ =	shalt  }
0x61: {  	_ =	shalt  }
0x62: {  	_ =	shalt  }
0x63: {  	_ =	shalt  }
0x64: {  	_ =	shalt  }
0x65: {  	_ =	shalt  }
0x66: {  	_ =	shalt  }
0x67: {  	_ =	shalt  }
0x68: {  	_ =	shalt  }
0x69: {  	_ =	shalt  }
0x6a: {  	_ =	shalt  }
0x6b: {  	_ =	shalt  }
0x6c: {  	_ =	shalt  }
0x6d: {  	_ =	shalt  }
0x6e: {  	_ =	shalt  }
0x6f: {  	_ =	shalt  }
0x70: {  	_ =	shalt  }
0x71: {  	_ =	shalt  }
0x72: {  	_ =	shalt  }
0x73: {  	_ =	shalt  }
0x74: {  	_ =	shalt  }
0x75: {  	_ =	shalt  }
0x76: {  	_ =	shalt  }
0x77: {  	_ =	shalt  }
0x78: {  	_ =	shalt  }
0x79: {  	_ =	shalt  }
0x7a: {  	_ =	shalt  }
0x7b: {  	_ =	shalt  }
0x7c: {  	_ =	shalt  }
0x7d: {  	_ =	shalt  }
0x7e: {  	_ =	shalt  }
0x7f: {  	_ =	shalt  }
0x80: {  	_ =	shalt  }
0x81: {  	_ =	shalt  }
0x82: {  	_ =	shalt  }
0x83: {  	_ =	shalt  }
0x84: {  	_ =	shalt  }
0x85: {  	_ =	shalt  }
0x86: {  	_ =	shalt  }
0x87: {  	_ =	shalt  }
.Lfunc_end0:
.L_simem_size_0:
called_computation_lowered:
.L_overlay_start_0:
0x88: {  	s2 =	sld [smem:$0x3FD9]  }
0x89: {  	s3 =	sld [smem:$0x3FFE];
	_ =	sdelay $0x1  }
0x8a: {  	s1 =	srdreg.scid  }
0x8b: {  	s0 =	sand.u32 $0x1, s1  }
0x8c: {  	s17 =	sshll.u32 s0, $0xA;
	s2 =	sadd.s32 s3, s2  }
0x8d: {  	s2 =	sadd.s32 s2, s17  }
0x8e: {  	[smem:$0x3FC3] =	sst s2  }
0x8f: {  	_ = 	snop  }
0x90: {  	s2 =	sld [smem:$0x3FC9]  }
0x91: {  	s18 =	sld [smem:$0x3FC8]  }
0x92: {  	s4 =	sld [smem:$0x3FC7]  }
0x93: {  	s5 =	sld [smem:$0x3FD0];
	(tm) =	ssettm $0x1  }
0x94: {  	s6 =	sld [smem:$0x3FFB];
	_ =	sdelay $0x3  }
0x95: {  	_ =	strace s6  }
0x96: {  	s6 =	sld [smem:$0x3FFC];
	_ =	sdelay $0x3  }
0x97: {  	_ =	strace s6  }
0x98: {  	s6 =	sld [smem:$0x3FFD];
	_ =	sdelay $0x3  }
0x99: {  	_ =	strace s6  }
0x9a: {  	_ =	strace $0x8FFFFFFF  }
0x9b: {  	s19 =	sld [smem:$0x3FDB];
	_ =	sdelay $0x1  }
0x9c: {  	s7 =	simm.s32 $_scs_section_size  }
0x9d: {  	s8 =	simm.s32 $_size__tile_overlayer_lowered;
	s9 =	simm.s32 $_tile_overlayer_lowered  }
0x9e: {  	s22 =	simm.s32 $0x1BFF;
	s21 =	sshll.u32 s9, $0x1;
	s6 =	sadd.s32 s7, s19  }
0x9f: {  	s10 =	simm.s32 $0x0;
	s20 =	sshll.u32 s8, $0x1;
	s8 =	sadd.s32 s21, s6  }
0xa0: {  	[timem:s10], [sflag:s22] =	dma.local [hbm:s8], s20  }
0xa1: {  	_ =	swait.ge [sflag:s22], s20  }
0xa2: {  	s7 =	ssub.s32 $0x0, s20;
	[sflag:s22] =	ssyncset.done $0x0  }
0xa3: {  	[sflag:s22] =	ssyncadd.s32 s7;
	_ =	sdelay $0x1  }
0xa4: {  	s23 =	simm.s32 $0x1B8B  }
0xa5: {  	_ =	swait.ge [sflag:s23], $0x1  }
0xa6: {  	[sflag:s23] =	ssyncset.done $0x0  }
0xa7: {  	s25 =	simm.s32 $0x1B8E;
	s24 =	sld [smem:$0x3FFE];
	[sflag:s23] =	ssyncadd.s32 $0xFFFFFFFF  }
0xa8: {  	s26 =	simm.s32 $execute0_lowered;
	[smem:$0x3FD2] =	sst s25  }
0xa9: {  	s8 =	sshll.u32 s26, $0x1;
	_ =	strace $0x80000046;
	[dreg:$0x1] =	wrdreg $0xFFFFFFFF  }
0xaa: {  	s28 =	simm.s32 $_size_execute0_lowered;
	s6 =	sadd.s32 s6, s8;
	[dreg:$0x0] =	wrdreg $0x0  }
0xab: {  	s8 =	sshll.u32 s28, $0x1;
	[dreg:$0x2] =	wrdreg s6  }
0xac: {  	[dreg:$0x3] =	wrdreg s8  }
0xad: {  	[dreg:$0x4] =	wrdreg $0xC0  }
0xae: {  	_ =	task [dreg:s10], $0x5FFFF  }
0xaf: {  	[dreg:$0x1] =	wrdreg $0xFFFFFFFF  }
0xb0: {  	[dreg:$0x0] =	wrdreg $0x60  }
0xb1: {  	[dreg:$0x2] =	wrdreg s2  }
0xb2: {  	[dreg:$0x3] =	wrdreg s18  }
0xb3: {  	[dreg:$0x4] =	wrdreg s4  }
0xb4: {  	[dreg:$0x5] =	wrdreg s24  }
0xb5: {  	[dreg:$0x6] =	wrdreg s5  }
0xb6: {  	[dreg:$0x7] =	wrdreg $0x9  }
0xb7: {  	_ =	task.clear_ibuf [dreg:s10], $0x8FFFF;
	_ =	strace $0x90000046  }
0xb8: {  	s29 =	simm.s32 $0x9;
	_ =	strace $0x80000048  }
0xb9: {  	_ =	swait.ge [sflag:s29], $0x1  }
0xba: {  	[sflag:s29] =	ssyncadd.s32 $0xFFFFFFFF  }
0xbb: {  	_ =	strace $0x90000048  }
0xbc: {  	_ =	sfence  }
0xbd: {  	s30 =	sld [smem:$0x0];
	_ =	sdelay $0x2  }
0xbe: {  	s31 =	sshll.u32 s1, $0xD;
	s1 =	sshrl.u32 s1, $0x2  }
0xbf: {  	s3 =	sand.u32 $0x4000, s31;
	s1 =	sadd.s32 s1, s30  }
0xc0: {  	s0 =	sor.u32 s3, s0;
	s1 =	sshll.u32 s1, $0x11  }
0xc1: {  	s0 =	sor.u32 s1, s0  }
0xc2: {  	s0 =	sadd.s32 $0x8F2B, s0  }
0xc3: {  	[sflag:s0] =	ssyncadd.remote.s32 $0x1  }
0xc4: {  	_ =	sfence.sel $0xFFFF  }
0xc5: {  	[dreg:$0x0] =	wrdreg $0xFFFFFFFF;
	(pc) =	sbr.abs _section_cstart, $3  }
0xc6: {  	[dreg:$0x1] =	wrdreg $0xFFFFFFFF  }
0xc7: {  	_ =	task.clear_ibuf [dreg:s10], $0x2FFFF;
	_ =	strace $0x9FFFFFFF  }
0xc8: {  	(tm) =	ssettm $0x7FFFFFFF  }
0xc9: {  	_ =	shalt  }
tec
execute0_lowered:
.L_overlay_start_1:
0x0: {  	(tag) =	ssettag $0x1  }
0x1: {  	v0 =	vimm.s32 $0xFEDCBA98;
	v1 =	vimm.s32 $0x76543210;
	v2 =	vimm.s32 $0x3210FEDC  }
0x2: {  	v3 =	vimm.s32 $0xBA987654;
	v4 =	vimm.s32 $0x10FEDCBA;
	v5 =	vimm.s32 $0x98765432  }
0x3: {  	s5 =	rddreg [dreg:$0x0];
	v6 =	vimm.s32 $0xFEDCBA9;
	v7 =	vimm.s32 $0x87654321;
	vm0 =	vmmov $0xffff  }
0x4: {  	s6 =	rddreg [dreg:$0x1];
	vm1 =	vmmov $0x1;
	vm2 =	vmmov $0x3;
	vm3 =	vmmov $0x7  }
0x5: {  	s7 =	rddreg [dreg:$0x2];
	vm4 =	vmmov $0xf;
	vm5 =	vmmov $0x1f;
	vm6 =	vmmov $0x3f  }
0x6: {  	s4 =	rddreg [dreg:$0x3];
	vm7 =	vmmov $0x7f;
	vm8 =	vmmov $0xff;
	vm9 =	vmmov $0x1ff  }
0x7: {  	s8 =	rddreg [dreg:$0x4];
	vm10 =	vmmov $0x3ff;
	vm11 =	vmmov $0x7ff;
	vm12 =	vmmov $0xfff  }
0x8: {  	s0 =	rddreg [dreg:$0x5];
	s1 =	simm.s32 $0x0;
	v0 =	vunpack.c.l.s4.s8 v0;
	v1 =	vunpack.c.l.s4.s8 v1;
	v2 =	vunpack.c.l.s4.s8 v2  }
0x9: {  	s9 =	srdreg.scid;
	s2 =	stileid.u32;
	s13 =	simm.s32 $0x1;
	v3 =	vunpack.c.l.s4.s8 v3;
	v4 =	vunpack.c.l.s4.s8 v4;
	v5 =	vunpack.c.l.s4.s8 v5  }
0xa: {  	s14 =	simm.s32 $0xC600;
	s15 =	simm.s32 $0x0;
	v6 =	vunpack.c.l.s4.s8 v6;
	v7 =	vunpack.c.l.s4.s8 v7;
	[smem:$0x7FF] =	sst s1;
	v0 =	vunpack.c.0.s8.s32 v0  }
0xb: {  	s3 =	sadd.s32 $0xF42800, s4;
	s9 =	sand.u32 $0x1, s9;
	s11 =	sshll.u32 s2, $0x7;
	v2 =	vunpack.c.0.s8.s32 v2;
	v3 =	vunpack.c.0.s8.s32 v3;
	v4 =	vunpack.c.0.s8.s32 v4  }
0xc: {  	s4 =	sadd.s32 $0x1313200, s4;
	s10 =	ssub.s32 $0x2, s9;
	s9 =	sshll.u32 s9, $0x6;
	v5 =	vunpack.c.0.s8.s32 v5;
	v6 =	vunpack.c.0.s8.s32 v6;
	v7 =	vunpack.c.0.s8.s32 v7  }
0xd: {  	vm13 =	vmmov $0x1fff;
	_ =	strace $0x80000047;
	v1 =	vunpack.c.0.s8.s32 v1;
	s12 =	sshrl.u32 s10, $0x1;
	s9 =	sor.u32 s9, s11;
	v2 =	vcombine.low v3, v2  }
0xe: {  	s11 =	simm.s32 $0x200;
	s10 =	ssub.s32 s10, s12;
	s5 =	sadd.s32 s5, s9;
	v3 =	vcombine.low v5, v4;
	v4 =	vcombine.low v7, v6;
	v0 =	vand.u32 $0xF, v0  }
0xf: {  	vm14 =	vmmov $0x3fff;
	vm15 =	vmmov $0x7fff;
	s6 =	sadd.s32 s6, s9;
	s7 =	sadd.s32 s7, s9;
	s8 =	sadd.s32 s8, s9;
	v0 =	vcombine.low v0, v1  }
0x10: {  	s12 =	simm.s32 $0x400;
	s9 =	smax.u32 s10, $0x1;
	s10 =	simm.s32 $0x2;
	v1 =	vand.u32 $0xF, v2;
	v2 =	vand.u32 $0xF, v3;
	v3 =	vand.u32 $0xF, v4  }
.LBB2_1:
0x11: {  	[tilespmem:s1], [sflag:$0x2] =	stream.linear.gather [hbm4b:s5+s1], $0x200, $0x38;
	[tilespmem:$0xC800] =	vst v63  }
0x12: {  	_ =	swait.ge [sflag:s10], $0x200  }
0x13: {  	[sflag:s10] =	ssyncset.done $0x0  }
0x14: {  	[sflag:s10] =	ssyncadd.s32 $0xFFFFFE00  }
0x15: {  	[tilespmem:s11], [sflag:$0x2] =	stream.linear.gather [hbm4b:s6+s1], $0x200, $0x38;
	[tilespmem:$0xC800] =	vst v63  }
0x16: {  	_ =	swait.ge [sflag:s10], $0x200  }
0x17: {  	[sflag:s10] =	ssyncset.done $0x0  }
0x18: {  	[sflag:s10] =	ssyncadd.s32 $0xFFFFFE00  }
0x19: {  	[tilespmem:s12], [sflag:$0x2] =	stream.linear.gather [hbm4b:s7+s1], $0x200, $0x38;
	[tilespmem:$0xC800] =	vst v63  }
0x1a: {  	_ =	swait.ge [sflag:s10], $0x200  }
0x1b: {  	s16 =	simm.s32 $0x8600;
	s17 =	simm.s32 $0x4600;
	[sflag:s10] =	ssyncset.done $0x0  }
0x1c: {  	s18 =	simm.s32 $0x600;
	s19 =	simm.s32 $0x0;
	[sflag:s10] =	ssyncadd.s32 $0xFFFFFE00  }
.LBB2_2:
0x1d: {  	s20 =	sshra.s32 s19, $0x2  }
0x1e: {  	v4 =	vld [tilespmem:s20+$0x0];
	_ =	sdelay $0x7  }
0x1f: {  	[tilespmem:s18], [sflag:$0x1] =	stream.indirect_vreg.gather [hbm4b:s3+s1], $0x20, v4, vm0, $0xb8;
	[tilespmem:$0xC800] =	vst v63  }
0x20: {  	v4 =	vld [tilespmem:s20+$0x200];
	_ =	sdelay $0x7  }
0x21: {  	[tilespmem:s17], [sflag:$0x1] =	stream.indirect_vreg.gather [hbm4b:s4+s1], $0x20, v4, vm0, $0xb8;
	[tilespmem:$0xC800] =	vst v63  }
0x22: {  	v4 =	vld [tilespmem:s20+$0x400];
	_ =	sdelay $0x3  }
0x23: {  	p0 =	sne.s32 s19, $0x7C0  }
.Ltmp0:
0x24: {  	_ = 	snop;
	(pc) =	sbr.rel @p0 .LBB2_2-.Ltmp0, $4  }
0x25: {  	_ = 	snop  }
0x26: {  	s19 =	sadd.s32 $0x40, s19  }
0x27: {  	[tilespmem:s16], [sflag:$0x1] =	stream.indirect_vreg.gather [hbm4b:s4+s1], $0x20, v4, vm0, $0xb8;
	[tilespmem:$0xC800] =	vst v63  }
0x28: {  	s18 =	sadd.s32 $0x200, s18;
	s17 =	sadd.s32 $0x200, s17;
	s16 =	sadd.s32 $0x200, s16  }
0x29: {  	_ =	swait.ge [sflag:s13], $0x4000  }
0x2a: {  	[sflag:s13] =	ssyncset.done $0x0  }
0x2b: {  	[sflag:s13] =	ssyncadd.s32 $0xFFFFC000  }
0x2c: {  	_ =	swait.ge [sflag:s13], $0x4000  }
0x2d: {  	[sflag:s13] =	ssyncset.done $0x0  }
0x2e: {  	[sflag:s13] =	ssyncadd.s32 $0xFFFFC000  }
0x2f: {  	_ =	swait.ge [sflag:s13], $0x4000  }
0x30: {  	[sflag:s13] =	ssyncset.done $0x0  }
0x31: {  	s16 =	simm.s32 $0x0;
	[sflag:s13] =	ssyncadd.s32 $0xFFFFC000  }
0x32: {  	v4 =	vld [tilespmem:s16+$0x7E0]  }
0x33: {  	v5 =	vld [tilespmem:s16+$0x7F0]  }
0x34: {  	v6 =	vld [tilespmem:s16+$0x7C0]  }
0x35: {  	v7 =	vld [tilespmem:s16+$0x7D0]  }
0x36: {  	v8 =	vld [tilespmem:s16+$0x47E0]  }
0x37: {  	v9 =	vld [tilespmem:s16+$0x87E0]  }
0x38: {  	v10 =	vld [tilespmem:s16+$0x47F0]  }
0x39: {  	v11 =	vld [tilespmem:s16+$0x87F0]  }
0x3a: {  	v12 =	vld [tilespmem:s16+$0x7A0]  }
0x3b: {  	v13 =	vld [tilespmem:s16+$0x7B0]  }
0x3c: {  	v14 =	vld [tilespmem:s16+$0x47C0]  }
0x3d: {  	v15 =	vld [tilespmem:s16+$0x87C0]  }
0x3e: {  	v16 =	vld [tilespmem:s16+$0x47D0]  }
0x3f: {  	v17 =	vld [tilespmem:s16+$0x87D0]  }
0x40: {  	v18 =	vld [tilespmem:s16+$0x780]  }
0x41: {  	v19 =	vld [tilespmem:s16+$0x790]  }
0x42: {  	v20 =	vld [tilespmem:s16+$0x47A0]  }
0x43: {  	v21 =	vld [tilespmem:s16+$0x87A0]  }
0x44: {  	v22 =	vld [tilespmem:s16+$0x47B0]  }
0x45: {  	v23 =	vld [tilespmem:s16+$0x87B0]  }
0x46: {  	v24 =	vld [tilespmem:s16+$0x760]  }
0x47: {  	v25 =	vld [tilespmem:s16+$0x770]  }
0x48: {  	v26 =	vld [tilespmem:s16+$0x4780]  }
0x49: {  	v27 =	vld [tilespmem:s16+$0x8780]  }
0x4a: {  	v28 =	vld [tilespmem:s16+$0x4790]  }
0x4b: {  	v29 =	vld [tilespmem:s16+$0x8790]  }
0x4c: {  	v30 =	vld [tilespmem:s16+$0x740]  }
0x4d: {  	v31 =	vld [tilespmem:s16+$0x750]  }
0x4e: {  	v32 =	vld [tilespmem:s16+$0x4760]  }
0x4f: {  	v33 =	vld [tilespmem:s16+$0x8760]  }
0x50: {  	v34 =	vld [tilespmem:s16+$0x4770]  }
0x51: {  	v35 =	vld [tilespmem:s16+$0x8770]  }
0x52: {  	v36 =	vld [tilespmem:s16+$0x720]  }
0x53: {  	v37 =	vld [tilespmem:s16+$0x730]  }
0x54: {  	v38 =	vld [tilespmem:s16+$0x4740]  }
0x55: {  	v39 =	vld [tilespmem:s16+$0x8740]  }
0x56: {  	v40 =	vld [tilespmem:s16+$0x4750]  }
0x57: {  	v41 =	vld [tilespmem:s16+$0x8750]  }
0x58: {  	v42 =	vld [tilespmem:s16+$0x700]  }
0x59: {  	v43 =	vld [tilespmem:s16+$0x710]  }
0x5a: {  	v44 =	vld [tilespmem:s16+$0x4720]  }
0x5b: {  	v45 =	vld [tilespmem:s16+$0x8720]  }
0x5c: {  	v46 =	vld [tilespmem:s16+$0x4730]  }
0x5d: {  	v47 =	vld [tilespmem:s16+$0x8730]  }
0x5e: {  	v48 =	vld [tilespmem:s16+$0x6E0]  }
0x5f: {  	v49 =	vld [tilespmem:s16+$0x6F0]  }
0x60: {  	v50 =	vld [tilespmem:s16+$0x4700]  }
0x61: {  	v51 =	vld [tilespmem:s16+$0x8700]  }
0x62: {  	v52 =	vld [tilespmem:s16+$0x4710]  }
0x63: {  	v53 =	vld [tilespmem:s16+$0x8710]  }
0x64: {  	v54 =	vld [tilespmem:s16+$0x6C0]  }
0x65: {  	v55 =	vld [tilespmem:s16+$0x8680]  }
0x66: {  	v8 =	vsub.f32 v8, v9;
	v9 =	vsub.f32 v10, v11;
	v11 =	vld [tilespmem:s16+$0x6D0]  }
0x67: {  	v10 =	vsub.f32 v14, v15;
	v14 =	vld [tilespmem:s16+$0x46E0]  }
0x68: {  	v15 =	vsub.f32 v16, v17;
	v16 =	vld [tilespmem:s16+$0x86E0]  }
0x69: {  	v17 =	vld [tilespmem:s16+$0x46F0]  }
0x6a: {  	v32 =	vsub.f32 v32, v33;
	v34 =	vsub.f32 v34, v35;
	v35 =	vld [tilespmem:s16+$0x4660]  }
0x6b: {  	v63 =	vsub.f32 v38, v39;
	v44 =	vsub.f32 v44, v45;
	v33 =	vld [tilespmem:s16+$0x8660]  }
0x6c: {  	v45 =	vsub.f32 v40, v41;
	v50 =	vsub.f32 v50, v51;
	v39 =	vld [tilespmem:s16+$0x4640]  }
0x6d: {  	v51 =	vsub.f32 v46, v47;
	v40 =	vld [tilespmem:s16+$0x8600];
	v4 =	vmul.f32 v8, v4;
	v5 =	vmul.f32 v9, v5  }
0x6e: {  	v56 =	vsub.f32 v52, v53;
	v52 =	vld [tilespmem:s16+$0x8620];
	v6 =	vmul.f32 v10, v6;
	v7 =	vmul.f32 v15, v7  }
0x6f: {  	v8 =	vsub.f32 v20, v21;
	v15 =	vld [tilespmem:s16+$0x86F0];
	v24 =	vmul.f32 v32, v24;
	v25 =	vmul.f32 v34, v25  }
0x70: {  	v9 =	vsub.f32 v22, v23;
	v22 =	vld [tilespmem:s16+$0x46A0];
	v30 =	vmul.f32 v63, v30;
	v32 =	vmul.f32 v44, v36  }
0x71: {  	v10 =	vsub.f32 v26, v27;
	v27 =	vld [tilespmem:s16+$0x86B0];
	v31 =	vmul.f32 v45, v31;
	v57 =	vmul.f32 v50, v42  }
0x72: {  	v20 =	vsub.f32 v28, v29;
	v28 =	vld [tilespmem:s16+$0x660];
	v37 =	vmul.f32 v51, v37;
	v8 =	vmul.f32 v8, v12  }
0x73: {  	v34 =	vld [tilespmem:s16+$0x640];
	v12 =	vmul.f32 v9, v13;
	v4 =	vadd.f32 v5, v4;
	v6 =	vadd.f32 v7, v6  }
0x74: {  	v36 =	vld [tilespmem:s16+$0x610];
	v5 =	vmul.f32 v10, v18;
	v24 =	vadd.f32 v25, v24;
	v32 =	vadd.f32 v37, v32  }
0x75: {  	v63 =	vld [tilespmem:s16+$0x8610];
	v13 =	vmul.f32 v20, v19;
	v30 =	vadd.f32 v31, v30;
	v14 =	vsub.f32 v14, v16  }
0x76: {  	v18 =	vld [tilespmem:s16+$0x86C0];
	v16 =	vmul.f32 v56, v43;
	v33 =	vsub.f32 v35, v33;
	v7 =	vadd.f32 v12, v8  }
0x77: {  	v20 =	vld [tilespmem:s16+$0x46D0];
	v8 =	vperm.xlane v4, v0;
	v5 =	vadd.f32 v13, v5;
	v13 =	vperm.xlane v6, v0  }
0x78: {  	v12 =	vld [tilespmem:s16+$0x46C0];
	v31 =	vperm.xlane v24, v0;
	v58 =	vperm.xlane v32, v0;
	v15 =	vsub.f32 v17, v15  }
0x79: {  	v25 =	vld [tilespmem:s16+$0x4670];
	v14 =	vmul.f32 v14, v48;
	v16 =	vadd.f32 v16, v57;
	v28 =	vmul.f32 v33, v28  }
0x7a: {  	v17 =	vld [tilespmem:s16+$0x8670];
	v19 =	vperm.xlane v7, v0;
	v4 =	vadd.f32 v4, v8;
	v21 =	vperm.xlane v5, v0  }
0x7b: {  	v6 =	vadd.f32 v6, v13;
	v13 =	vld [tilespmem:s16+$0x86D0];
	v32 =	vadd.f32 v32, v58;
	v15 =	vmul.f32 v15, v49  }
0x7c: {  	v9 =	vld [tilespmem:s16+$0x6A0];
	v7 =	vadd.f32 v7, v19;
	v19 =	vperm.xlane v4, v1;
	v5 =	vadd.f32 v5, v21  }
0x7d: {  	v10 =	vld [tilespmem:s16+$0x6B0];
	v21 =	vperm.xlane v6, v1;
	v12 =	vsub.f32 v12, v18;
	v18 =	vperm.xlane v30, v0  }
0x7e: {  	v37 =	vld [tilespmem:s16+$0x600];
	v14 =	vadd.f32 v15, v14;
	v15 =	vperm.xlane v16, v0;
	v23 =	vperm.xlane v7, v1  }
0x7f: {  	v56 =	vld [tilespmem:s16+$0x4630];
	v4 =	vadd.f32 v4, v19;
	v26 =	vperm.xlane v5, v1;
	v6 =	vadd.f32 v6, v21  }
0x80: {  	v8 =	vld [tilespmem:s16+$0x680];
	v17 =	vsub.f32 v25, v17;
	v13 =	vsub.f32 v20, v13;
	v12 =	vmul.f32 v12, v54  }
0x81: {  	v19 =	vld [tilespmem:s16+$0x86A0];
	v18 =	vadd.f32 v30, v18;
	v7 =	vadd.f32 v7, v23;
	v23 =	vperm.xlane v4, v2  }
0x82: {  	v21 =	vld [tilespmem:s16+$0x46B0];
	v26 =	vadd.f32 v5, v26;
	v5 =	vperm.xlane v6, v2;
	v11 =	vmul.f32 v13, v11  }
0x83: {  	v58 =	vld [tilespmem:s16+$0x8630];
	v13 =	vadd.f32 v24, v31;
	v31 =	vperm.xlane v14, v0;
	v59 =	vperm.xlane v18, v1  }
0x84: {  	v49 =	vld [tilespmem:s16+$0x4620];
	v29 =	vperm.xlane v7, v2;
	v4 =	vadd.f32 v4, v23;
	v5 =	vadd.f32 v6, v5  }
0x85: {  	v20 =	vld [tilespmem:s16+$0x620];
	v62 =	vperm.xlane v26, v2;
	v11 =	vadd.f32 v11, v12;
	v12 =	vadd.f32 v16, v15  }
0x86: {  	v24 =	vld [tilespmem:s16+$0x8640];
	v15 =	vperm.xlane v13, v1;
	v14 =	vadd.f32 v14, v31;
	v18 =	vadd.f32 v18, v59  }
0x87: {  	v30 =	vld [tilespmem:s16+$0x4650];
	v31 =	vperm.xlane v32, v1;
	v19 =	vsub.f32 v22, v19;
	v21 =	vsub.f32 v21, v27  }
0x88: {  	v23 =	vld [tilespmem:s16+$0x4680];
	v6 =	vadd.f32 v7, v29;
	v7 =	vadd.f32 v26, v62;
	v60 =	vperm.xlane v11, v0  }
0x89: {  	v16 =	vld [tilespmem:s16+$0x4600];
	v61 =	vperm.xlane v12, v1;
	v13 =	vadd.f32 v13, v15;
	v62 =	vperm.xlane v14, v1  }
0x8a: {  	v59 =	vld [tilespmem:s16+$0x8650];
	v31 =	vadd.f32 v32, v31;
	v10 =	vmul.f32 v21, v10;
	v21 =	vsub.f32 v49, v52  }
0x8b: {  	v22 =	vld [tilespmem:s16+$0x630];
	v51 =	vperm.xlane v18, v2;
	v24 =	vsub.f32 v39, v24;
	v11 =	vadd.f32 v11, v60  }
0x8c: {  	v15 =	vld [tilespmem:s16+$0x4610];
	v9 =	vmul.f32 v19, v9;
	v12 =	vadd.f32 v12, v61;
	v14 =	vadd.f32 v14, v62  }
0x8d: {  	v29 =	vld [tilespmem:s16+$0x4690];
	v48 =	vperm.xlane v13, v2;
	v18 =	vadd.f32 v18, v51;
	v23 =	vsub.f32 v23, v55  }
0x8e: {  	v26 =	vld [tilespmem:s16+$0x8690];
	v50 =	vperm.xlane v31, v2;
	v61 =	vsub.f32 v56, v58;
	v9 =	vadd.f32 v10, v9  }
0x8f: {  	v60 =	vld [tilespmem:s16+$0x650];
	v20 =	vmul.f32 v21, v20;
	v16 =	vsub.f32 v16, v40;
	v30 =	vsub.f32 v30, v59  }
0x90: {  	v19 =	vld [tilespmem:s16+$0x670];
	v53 =	vperm.xlane v11, v1;
	v54 =	vperm.xlane v12, v2;
	v13 =	vadd.f32 v13, v48  }
0x91: {  	v62 =	vld [tilespmem:s16+$0x690];
	v57 =	vperm.xlane v14, v2;
	v21 =	vmul.f32 v61, v22;
	v15 =	vsub.f32 v15, v63  }
0x92: {  	v31 =	vadd.f32 v31, v50;
	v22 =	vmul.f32 v24, v34;
	v8 =	vmul.f32 v23, v8  }
0x93: {  	v25 =	vsub.f32 v29, v26;
	v16 =	vmul.f32 v16, v37;
	v15 =	vmul.f32 v15, v36  }
0x94: {  	v11 =	vadd.f32 v11, v53;
	v12 =	vadd.f32 v12, v54;
	v24 =	vmul.f32 v30, v60  }
0x95: {  	v17 =	vmul.f32 v17, v19;
	v15 =	vadd.f32 v15, v16;
	v16 =	vadd.f32 v21, v20  }
0x96: {  	v14 =	vadd.f32 v14, v57;
	v19 =	vadd.f32 v24, v22;
	v20 =	vmul.f32 v25, v62  }
0x97: {  	v17 =	vadd.f32 v17, v28;
	v21 =	vperm.xlane v15, v0;
	v22 =	vperm.xlane v16, v0  }
0x98: {  	v27 =	vperm.xlane v11, v2;
	v23 =	vperm.xlane v19, v0;
	v8 =	vadd.f32 v20, v8  }
0x99: {  	v10 =	vadd.f32 v15, v21;
	v15 =	vadd.f32 v16, v22;
	v16 =	vperm.xlane v17, v0  }
0x9a: {  	v19 =	vadd.f32 v19, v23;
	v20 =	vperm.xlane v8, v0;
	v21 =	vperm.xlane v9, v0  }
0x9b: {  	v22 =	vperm.xlane v10, v1;
	v23 =	vperm.xlane v15, v1;
	v16 =	vadd.f32 v17, v16  }
0x9c: {  	v17 =	vperm.xlane v19, v1;
	v8 =	vadd.f32 v8, v20;
	v9 =	vadd.f32 v9, v21  }
0x9d: {  	v10 =	vadd.f32 v10, v22;
	v15 =	vadd.f32 v15, v23;
	v20 =	vperm.xlane v16, v1  }
0x9e: {  	v17 =	vadd.f32 v19, v17;
	v19 =	vperm.xlane v8, v1;
	v21 =	vperm.xlane v9, v1  }
0x9f: {  	v22 =	vperm.xlane v10, v2;
	v23 =	vperm.xlane v15, v2;
	v16 =	vadd.f32 v16, v20  }
0xa0: {  	v20 =	vperm.xlane v17, v2;
	v8 =	vadd.f32 v8, v19;
	v9 =	vadd.f32 v9, v21  }
0xa1: {  	v10 =	vadd.f32 v10, v22;
	v15 =	vadd.f32 v15, v23;
	v19 =	vperm.xlane v16, v2  }
0xa2: {  	v17 =	vadd.f32 v17, v20;
	v20 =	vperm.xlane v8, v2;
	v21 =	vperm.xlane v9, v2  }
0xa3: {  	v22 =	vperm.xlane v10, v3;
	v23 =	vperm.xlane v15, v3;
	v16 =	vadd.f32 v16, v19  }
0xa4: {  	v19 =	vperm.xlane v17, v3;
	v8 =	vadd.f32 v8, v20;
	v9 =	vadd.f32 v9, v21  }
0xa5: {  	v10 =	vadd.f32 v10, v22;
	v15 =	vadd.f32 v15, v23;
	v20 =	vperm.xlane v16, v3  }
0xa6: {  	v11 =	vadd.f32 v11, v27;
	v17 =	vadd.f32 v17, v19;
	v19 =	vperm.xlane v8, v3  }
0xa7: {  	v10 =	vsel vm1, v10, v15;
	v15 =	vadd.f32 v16, v20;
	v16 =	vperm.xlane v9, v3  }
0xa8: {  	v8 =	vadd.f32 v8, v19;
	v10 =	vsel vm2, v10, v17;
	v17 =	vperm.xlane v11, v3  }
0xa9: {  	v10 =	vsel vm3, v10, v15;
	v9 =	vadd.f32 v9, v16;
	v15 =	vperm.xlane v14, v3  }
0xaa: {  	v8 =	vsel vm4, v10, v8;
	v10 =	vadd.f32 v11, v17;
	v11 =	vperm.xlane v12, v3  }
0xab: {  	v8 =	vsel vm5, v8, v9;
	v9 =	vadd.f32 v14, v15;
	v14 =	vperm.xlane v31, v3  }
0xac: {  	v8 =	vsel vm6, v8, v10;
	v10 =	vadd.f32 v12, v11;
	v11 =	vperm.xlane v18, v3  }
0xad: {  	v12 =	vperm.xlane v13, v3;
	v8 =	vsel vm7, v8, v9;
	v9 =	vadd.f32 v31, v14  }
0xae: {  	v8 =	vsel vm8, v8, v10;
	v10 =	vadd.f32 v18, v11;
	v11 =	vperm.xlane v7, v3  }
0xaf: {  	v8 =	vsel vm9, v8, v9;
	v9 =	vadd.f32 v13, v12;
	v12 =	vperm.xlane v6, v3  }
0xb0: {  	v8 =	vsel vm10, v8, v10;
	v7 =	vadd.f32 v7, v11;
	v10 =	vperm.xlane v5, v3  }
0xb1: {  	v8 =	vsel vm11, v8, v9;
	v6 =	vadd.f32 v6, v12;
	v9 =	vperm.xlane v4, v3  }
0xb2: {  	v7 =	vsel vm12, v8, v7;
	v5 =	vadd.f32 v5, v10  }
0xb3: {  	v6 =	vsel vm13, v7, v6;
	v4 =	vadd.f32 v4, v9  }
0xb4: {  	v5 =	vsel vm14, v6, v5  }
0xb5: {  	v4 =	vsel vm15, v5, v4  }
0xb6: {  	v4 =	vsub.f32 $0.0e+00, v4;
	_ =	sdelay $0x1  }
0xb7: {  	v4 =	vmul.f32 $1.442695020e+00, v4;
	_ =	sdelay $0x1  }
0xb8: {  	(erf) = vpow2.f32 v4;
	_ =	sdelay $0x8  }
0xb9: {  	v4 =	vpop (erf)  }
0xba: {  	v4 =	vadd.f32 $1.000000000e+00, v4;
	_ =	sdelay $0x1  }
0xbb: {  	(erf) = vrcp.f32 v4;
	_ =	sdelay $0x8  }
0xbc: {  	s16 =	simm.s32 $0xC600;
	v4 =	vpop (erf)  }
0xbd: {  	s17 =	simm.s32 $0x200;
	[tilespmem:s16+$0x0] =	vst v4  }
0xbe: {  	v4 =	vld [tilespmem:s17+$0x7E0]  }
0xbf: {  	v5 =	vld [tilespmem:s17+$0x7F0]  }
0xc0: {  	v6 =	vld [tilespmem:s17+$0x7C0]  }
0xc1: {  	v7 =	vld [tilespmem:s17+$0x7D0]  }
0xc2: {  	v8 =	vld [tilespmem:s17+$0x47E0]  }
0xc3: {  	v9 =	vld [tilespmem:s17+$0x87E0]  }
0xc4: {  	v10 =	vld [tilespmem:s17+$0x47F0]  }
0xc5: {  	v11 =	vld [tilespmem:s17+$0x87F0]  }
0xc6: {  	v12 =	vld [tilespmem:s17+$0x7A0]  }
0xc7: {  	v13 =	vld [tilespmem:s17+$0x7B0]  }
0xc8: {  	v14 =	vld [tilespmem:s17+$0x47C0]  }
0xc9: {  	v15 =	vld [tilespmem:s17+$0x87C0]  }
0xca: {  	v16 =	vld [tilespmem:s17+$0x47D0]  }
0xcb: {  	v17 =	vld [tilespmem:s17+$0x87D0]  }
0xcc: {  	v18 =	vld [tilespmem:s17+$0x780]  }
0xcd: {  	v19 =	vld [tilespmem:s17+$0x790]  }
0xce: {  	v20 =	vld [tilespmem:s17+$0x47A0]  }
0xcf: {  	v21 =	vld [tilespmem:s17+$0x87A0]  }
0xd0: {  	v22 =	vld [tilespmem:s17+$0x47B0]  }
0xd1: {  	v23 =	vld [tilespmem:s17+$0x87B0]  }
0xd2: {  	v24 =	vld [tilespmem:s17+$0x760]  }
0xd3: {  	v25 =	vld [tilespmem:s17+$0x770]  }
0xd4: {  	v26 =	vld [tilespmem:s17+$0x4780]  }
0xd5: {  	v27 =	vld [tilespmem:s17+$0x8780]  }
0xd6: {  	v28 =	vld [tilespmem:s17+$0x4790]  }
0xd7: {  	v29 =	vld [tilespmem:s17+$0x8790]  }
0xd8: {  	v30 =	vld [tilespmem:s17+$0x740]  }
0xd9: {  	v31 =	vld [tilespmem:s17+$0x750]  }
0xda: {  	v32 =	vld [tilespmem:s17+$0x4760]  }
0xdb: {  	v33 =	vld [tilespmem:s17+$0x8760]  }
0xdc: {  	v34 =	vld [tilespmem:s17+$0x4770]  }
0xdd: {  	v35 =	vld [tilespmem:s17+$0x8770]  }
0xde: {  	v36 =	vld [tilespmem:s17+$0x720]  }
0xdf: {  	v37 =	vld [tilespmem:s17+$0x730]  }
0xe0: {  	v38 =	vld [tilespmem:s17+$0x4740]  }
0xe1: {  	v63 =	vld [tilespmem:s17+$0x8740]  }
0xe2: {  	v40 =	vld [tilespmem:s17+$0x4750]  }
0xe3: {  	v41 =	vld [tilespmem:s17+$0x8750]  }
0xe4: {  	v42 =	vld [tilespmem:s17+$0x700]  }
0xe5: {  	v43 =	vld [tilespmem:s17+$0x710]  }
0xe6: {  	v44 =	vld [tilespmem:s17+$0x4720]  }
0xe7: {  	v45 =	vld [tilespmem:s17+$0x8720]  }
0xe8: {  	v46 =	vld [tilespmem:s17+$0x4730]  }
0xe9: {  	v47 =	vld [tilespmem:s17+$0x8730]  }
0xea: {  	v48 =	vld [tilespmem:s17+$0x6E0]  }
0xeb: {  	v49 =	vld [tilespmem:s17+$0x6F0]  }
0xec: {  	v50 =	vld [tilespmem:s17+$0x4700]  }
0xed: {  	v51 =	vld [tilespmem:s17+$0x8700]  }
0xee: {  	v52 =	vld [tilespmem:s17+$0x4710]  }
0xef: {  	v60 =	vld [tilespmem:s17+$0x8710]  }
0xf0: {  	v61 =	vld [tilespmem:s17+$0x6C0]  }
0xf1: {  	v62 =	vld [tilespmem:s17+$0x86E0];
	v8 =	vsub.f32 v8, v9  }
0xf2: {  	v56 =	vld [tilespmem:s17+$0x46F0];
	v9 =	vsub.f32 v10, v11;
	v10 =	vsub.f32 v14, v15  }
0xf3: {  	v57 =	vld [tilespmem:s17+$0x86C0];
	v14 =	vsub.f32 v16, v17;
	v16 =	vsub.f32 v28, v29  }
0xf4: {  	v58 =	vld [tilespmem:s17+$0x46D0];
	v29 =	vsub.f32 v34, v35;
	v63 =	vsub.f32 v38, v63  }
0xf5: {  	v59 =	vld [tilespmem:s17+$0x86D0];
	v38 =	vsub.f32 v40, v41;
	v39 =	vsub.f32 v46, v47;
	v4 =	vmul.f32 v8, v4  }
0xf6: {  	v11 =	vld [tilespmem:s17+$0x6D0];
	v5 =	vmul.f32 v9, v5;
	v8 =	vsub.f32 v20, v21;
	v9 =	vsub.f32 v22, v23  }
0xf7: {  	v15 =	vld [tilespmem:s17+$0x46E0];
	v6 =	vmul.f32 v10, v6;
	v10 =	vsub.f32 v26, v27;
	v7 =	vmul.f32 v14, v7  }
0xf8: {  	v28 =	vld [tilespmem:s17+$0x86F0];
	v40 =	vsub.f32 v52, v60;
	v8 =	vmul.f32 v8, v12;
	v12 =	vmul.f32 v9, v13  }
0xf9: {  	v34 =	vld [tilespmem:s17+$0x8640];
	v4 =	vadd.f32 v5, v4;
	v5 =	vmul.f32 v10, v18;
	v13 =	vmul.f32 v16, v19  }
0xfa: {  	v20 =	vld [tilespmem:s17+$0x86B0];
	v25 =	vmul.f32 v29, v25;
	v6 =	vadd.f32 v7, v6;
	v7 =	vadd.f32 v12, v8  }
0xfb: {  	v22 =	vld [tilespmem:s17+$0x4680];
	v30 =	vmul.f32 v63, v30;
	v8 =	vperm.xlane v4, v0;
	v5 =	vadd.f32 v13, v5  }
0xfc: {  	v26 =	vsub.f32 v32, v33;
	v23 =	vld [tilespmem:s17+$0x8680];
	v13 =	vperm.xlane v6, v0;
	v14 =	vperm.xlane v7, v0  }
0xfd: {  	v31 =	vmul.f32 v38, v31;
	v33 =	vld [tilespmem:s17+$0x4640];
	v4 =	vadd.f32 v4, v8;
	v16 =	vperm.xlane v5, v0  }
0xfe: {  	v32 =	vmul.f32 v40, v43;
	v9 =	vld [tilespmem:s17+$0x6A0];
	v6 =	vadd.f32 v6, v13;
	v7 =	vadd.f32 v7, v14  }
0xff: {  	v10 =	vld [tilespmem:s17+$0x6B0];
	v24 =	vmul.f32 v26, v24;
	v13 =	vperm.xlane v4, v1;
	v5 =	vadd.f32 v5, v16  }
0x100: {  	v29 =	vsub.f32 v50, v51;
	v19 =	vld [tilespmem:s17+$0x86A0];
	v14 =	vperm.xlane v6, v1;
	v17 =	vperm.xlane v7, v1  }
0x101: {  	v18 =	vld [tilespmem:s17+$0x46B0];
	v31 =	vadd.f32 v31, v30;
	v4 =	vadd.f32 v4, v13;
	v13 =	vperm.xlane v5, v1  }
0x102: {  	v26 =	vld [tilespmem:s17+$0x4660];
	v29 =	vmul.f32 v29, v42;
	v6 =	vadd.f32 v6, v14;
	v7 =	vadd.f32 v7, v17  }
0x103: {  	v30 =	vld [tilespmem:s17+$0x620];
	v15 =	vsub.f32 v15, v62;
	v50 =	vperm.xlane v31, v0;
	v17 =	vadd.f32 v5, v13  }
0x104: {  	v46 =	vsub.f32 v56, v28;
	v28 =	vld [tilespmem:s17+$0x600];
	v5 =	vperm.xlane v6, v2;
	v21 =	vperm.xlane v7, v2  }
0x105: {  	v12 =	vld [tilespmem:s17+$0x46C0];
	v32 =	vadd.f32 v32, v29;
	v38 =	vadd.f32 v31, v50;
	v27 =	vperm.xlane v17, v2  }
0x106: {  	v29 =	vld [tilespmem:s17+$0x610];
	v5 =	vadd.f32 v6, v5;
	v6 =	vadd.f32 v7, v21  }
0x107: {  	v8 =	vld [tilespmem:s17+$0x680];
	v7 =	vadd.f32 v17, v27;
	v27 =	vsub.f32 v44, v45  }
0x108: {  	v15 =	vmul.f32 v15, v48;
	v31 =	vld [tilespmem:s17+$0x4650];
	v56 =	vperm.xlane v38, v1  }
0x109: {  	v16 =	vld [tilespmem:s17+$0x46A0];
	v44 =	vmul.f32 v39, v37;
	v41 =	vmul.f32 v27, v36  }
0x10a: {  	v62 =	vadd.f32 v38, v56;
	v38 =	vld [tilespmem:s17+$0x8610];
	v14 =	vperm.xlane v4, v2;
	v45 =	vadd.f32 v25, v24  }
0x10b: {  	v48 =	vmul.f32 v46, v49;
	v49 =	vsub.f32 v58, v59;
	v13 =	vld [tilespmem:s17+$0x660];
	v35 =	vadd.f32 v44, v41  }
0x10c: {  	v12 =	vsub.f32 v12, v57;
	v4 =	vadd.f32 v4, v14;
	v14 =	vld [tilespmem:s17+$0x4690];
	v47 =	vperm.xlane v45, v0  }
0x10d: {  	v51 =	vperm.xlane v32, v0;
	v15 =	vadd.f32 v48, v15;
	v17 =	vld [tilespmem:s17+$0x8690];
	v52 =	vperm.xlane v35, v0  }
0x10e: {  	v11 =	vmul.f32 v49, v11;
	v12 =	vmul.f32 v12, v61;
	v21 =	vld [tilespmem:s17+$0x640];
	v37 =	vadd.f32 v45, v47  }
0x10f: {  	v53 =	vperm.xlane v15, v0;
	v24 =	vld [tilespmem:s17+$0x4670];
	v40 =	vadd.f32 v35, v52  }
0x110: {  	v11 =	vadd.f32 v11, v12;
	v12 =	vadd.f32 v32, v51;
	v25 =	vld [tilespmem:s17+$0x8670];
	v54 =	vperm.xlane v37, v1  }
0x111: {  	v15 =	vadd.f32 v15, v53;
	v39 =	vld [tilespmem:s17+$0x4620];
	v55 =	vperm.xlane v40, v1  }
0x112: {  	v57 =	vperm.xlane v11, v0;
	v58 =	vperm.xlane v12, v1;
	v27 =	vld [tilespmem:s17+$0x8660];
	v59 =	vadd.f32 v37, v54  }
0x113: {  	v60 =	vperm.xlane v15, v1;
	v36 =	vld [tilespmem:s17+$0x8600];
	v61 =	vadd.f32 v40, v55  }
0x114: {  	v32 =	vadd.f32 v11, v57;
	v42 =	vadd.f32 v12, v58;
	v41 =	vld [tilespmem:s17+$0x4630];
	v11 =	vperm.xlane v59, v2  }
0x115: {  	v63 =	vperm.xlane v62, v2;
	v43 =	vadd.f32 v15, v60;
	v35 =	vld [tilespmem:s17+$0x4600];
	v12 =	vperm.xlane v61, v2  }
0x116: {  	v44 =	vperm.xlane v32, v1;
	v45 =	vperm.xlane v42, v2;
	v37 =	vld [tilespmem:s17+$0x4610];
	v11 =	vadd.f32 v59, v11  }
0x117: {  	s18 =	simm.s32 $0x1000;
	v46 =	vperm.xlane v43, v2;
	v40 =	vld [tilespmem:s17+$0x8620];
	v15 =	vadd.f32 v61, v12;
	v12 =	vadd.f32 v62, v63  }
.LBB2_4:
0x118: {  	p0 =	sne.s32 s18, $0xF800;
	v47 =	vld [tilespmem:s17+$0x8630];
	v44 =	vadd.f32 v32, v44;
	v32 =	vadd.f32 v42, v45  }
0x119: {  	v16 =	vsub.f32 v16, v19;
	v42 =	vld [tilespmem:s17+$0x8650];
	v19 =	vadd.f32 v43, v46  }
0x11a: {  	v22 =	vsub.f32 v22, v23;
	v18 =	vsub.f32 v18, v20;
	v43 =	vld [tilespmem:s17+$0x630];
	v20 =	vperm.xlane v44, v2  }
0x11b: {  	v33 =	vsub.f32 v33, v34;
	v26 =	vsub.f32 v26, v27;
	v9 =	vmul.f32 v16, v9;
	v23 =	vld [tilespmem:s17+$0x650]  }
0x11c: {  	v27 =	vsub.f32 v37, v38;
	v16 =	vsub.f32 v35, v36;
	v10 =	vmul.f32 v18, v10;
	v34 =	vld [tilespmem:s17+$0x670]  }
0x11d: {  	v13 =	vmul.f32 v26, v13;
	v18 =	vsub.f32 v39, v40;
	v35 =	vsub.f32 v41, v47;
	v26 =	vld [tilespmem:s17+$0x690]  }
0x11e: {  	v27 =	vmul.f32 v27, v29;
	v16 =	vmul.f32 v16, v28;
	v28 =	vsub.f32 v31, v42  }
0x11f: {  	v24 =	vsub.f32 v24, v25;
	v18 =	vmul.f32 v18, v30;
	v29 =	vmul.f32 v35, v43  }
0x120: {  	v14 =	vsub.f32 v14, v17;
	v21 =	vmul.f32 v33, v21;
	v23 =	vmul.f32 v28, v23  }
0x121: {  	v16 =	vadd.f32 v27, v16;
	v17 =	vadd.f32 v29, v18;
	v18 =	vmul.f32 v24, v34  }
0x122: {  	v8 =	vmul.f32 v22, v8;
	v21 =	vadd.f32 v23, v21;
	v14 =	vmul.f32 v14, v26  }
0x123: {  	v22 =	vperm.xlane v16, v0;
	v23 =	vperm.xlane v17, v0;
	v13 =	vadd.f32 v18, v13  }
0x124: {  	v9 =	vadd.f32 v10, v9;
	v18 =	vperm.xlane v21, v0;
	v8 =	vadd.f32 v14, v8  }
0x125: {  	v10 =	vadd.f32 v16, v22;
	v14 =	vadd.f32 v17, v23;
	v16 =	vperm.xlane v13, v0  }
0x126: {  	v17 =	vadd.f32 v21, v18;
	v18 =	vperm.xlane v8, v0;
	v21 =	vperm.xlane v9, v0  }
0x127: {  	v22 =	vperm.xlane v10, v1;
	v23 =	vperm.xlane v14, v1;
	v13 =	vadd.f32 v13, v16  }
0x128: {  	v16 =	vperm.xlane v17, v1;
	v8 =	vadd.f32 v8, v18;
	v9 =	vadd.f32 v9, v21  }
0x129: {  	v10 =	vadd.f32 v10, v22;
	v14 =	vadd.f32 v14, v23;
	v18 =	vperm.xlane v13, v1  }
0x12a: {  	v16 =	vadd.f32 v17, v16;
	v17 =	vperm.xlane v8, v1;
	v21 =	vperm.xlane v9, v1  }
0x12b: {  	v22 =	vperm.xlane v10, v2;
	v23 =	vperm.xlane v14, v2;
	v13 =	vadd.f32 v13, v18  }
0x12c: {  	v18 =	vperm.xlane v16, v2;
	v8 =	vadd.f32 v8, v17;
	v9 =	vadd.f32 v9, v21  }
0x12d: {  	v10 =	vadd.f32 v10, v22;
	v14 =	vadd.f32 v14, v23;
	v17 =	vperm.xlane v13, v2  }
0x12e: {  	v16 =	vadd.f32 v16, v18;
	v18 =	vperm.xlane v8, v2;
	v21 =	vperm.xlane v9, v2  }
0x12f: {  	v22 =	vperm.xlane v10, v3;
	v23 =	vperm.xlane v14, v3;
	v13 =	vadd.f32 v13, v17  }
0x130: {  	v17 =	vperm.xlane v16, v3;
	v8 =	vadd.f32 v8, v18;
	v9 =	vadd.f32 v9, v21  }
0x131: {  	v10 =	vadd.f32 v10, v22;
	v14 =	vadd.f32 v14, v23;
	v18 =	vperm.xlane v13, v3  }
0x132: {  	v20 =	vadd.f32 v44, v20;
	v16 =	vadd.f32 v16, v17;
	v17 =	vperm.xlane v8, v3  }
0x133: {  	v10 =	vsel vm1, v10, v14;
	v13 =	vadd.f32 v13, v18;
	v14 =	vperm.xlane v9, v3  }
0x134: {  	v10 =	vsel vm2, v10, v16;
	v8 =	vadd.f32 v8, v17;
	v16 =	vperm.xlane v20, v3  }
0x135: {  	v10 =	vsel vm3, v10, v13;
	v9 =	vadd.f32 v9, v14;
	v13 =	vperm.xlane v19, v3  }
0x136: {  	v14 =	vperm.xlane v32, v3;
	v8 =	vsel vm4, v10, v8;
	v10 =	vadd.f32 v20, v16  }
0x137: {  	v8 =	vsel vm5, v8, v9;
	v9 =	vadd.f32 v19, v13;
	v13 =	vperm.xlane v15, v3  }
0x138: {  	v8 =	vsel vm6, v8, v10;
	v10 =	vadd.f32 v32, v14;
	v14 =	vperm.xlane v12, v3  }
0x139: {  	v8 =	vsel vm7, v8, v9;
	v9 =	vadd.f32 v15, v13;
	v13 =	vperm.xlane v11, v3  }
0x13a: {  	v8 =	vsel vm8, v8, v10;
	v10 =	vadd.f32 v12, v14;
	v12 =	vperm.xlane v7, v3  }
0x13b: {  	v8 =	vsel vm9, v8, v9;
	v9 =	vadd.f32 v11, v13;
	v11 =	vperm.xlane v6, v3  }
0x13c: {  	v8 =	vsel vm10, v8, v10;
	v7 =	vadd.f32 v7, v12;
	v10 =	vperm.xlane v5, v3  }
0x13d: {  	v8 =	vsel vm11, v8, v9;
	v6 =	vadd.f32 v6, v11;
	v9 =	vperm.xlane v4, v3  }
0x13e: {  	v7 =	vsel vm12, v8, v7;
	v5 =	vadd.f32 v5, v10  }
0x13f: {  	v6 =	vsel vm13, v7, v6;
	v4 =	vadd.f32 v4, v9  }
0x140: {  	v5 =	vsel vm14, v6, v5  }
0x141: {  	v4 =	vsel vm15, v5, v4  }
0x142: {  	v4 =	vsub.f32 $0.0e+00, v4;
	_ =	sdelay $0x1  }
0x143: {  	v4 =	vmul.f32 $1.442695020e+00, v4;
	_ =	sdelay $0x1  }
0x144: {  	(erf) = vpow2.f32 v4;
	_ =	sdelay $0x8  }
0x145: {  	v4 =	vpop (erf)  }
0x146: {  	v4 =	vadd.f32 $1.000000000e+00, v4;
	_ =	sdelay $0x1  }
0x147: {  	(erf) = vrcp.f32 v4;
	_ =	sdelay $0x8  }
0x148: {  	s16 =	sadd.s32 $0x10, s16;
	v4 =	vpop (erf)  }
0x149: {  	s17 =	sshra.s32 s18, $0x2;
	[tilespmem:s16+$0x0] =	vst v4  }
0x14a: {  	v4 =	vld [tilespmem:s17+$0x7E0]  }
0x14b: {  	v5 =	vld [tilespmem:s17+$0x7F0]  }
0x14c: {  	v6 =	vld [tilespmem:s17+$0x7C0]  }
0x14d: {  	v8 =	vld [tilespmem:s17+$0x7D0]  }
0x14e: {  	v9 =	vld [tilespmem:s17+$0x47E0]  }
0x14f: {  	v10 =	vld [tilespmem:s17+$0x87E0]  }
0x150: {  	v13 =	vld [tilespmem:s17+$0x47F0]  }
0x151: {  	v14 =	vld [tilespmem:s17+$0x87F0]  }
0x152: {  	v16 =	vld [tilespmem:s17+$0x7A0]  }
0x153: {  	v17 =	vld [tilespmem:s17+$0x7B0]  }
0x154: {  	v18 =	vld [tilespmem:s17+$0x47C0]  }
0x155: {  	v19 =	vld [tilespmem:s17+$0x87C0]  }
0x156: {  	v20 =	vld [tilespmem:s17+$0x47D0]  }
0x157: {  	v21 =	vld [tilespmem:s17+$0x87D0]  }
0x158: {  	v22 =	vld [tilespmem:s17+$0x780]  }
0x159: {  	v23 =	vld [tilespmem:s17+$0x790]  }
0x15a: {  	v26 =	vld [tilespmem:s17+$0x47A0]  }
0x15b: {  	v27 =	vld [tilespmem:s17+$0x87A0]  }
0x15c: {  	v34 =	vld [tilespmem:s17+$0x47B0]  }
0x15d: {  	v35 =	vld [tilespmem:s17+$0x87B0]  }
0x15e: {  	v7 =	vld [tilespmem:s17+$0x760]  }
0x15f: {  	v11 =	vld [tilespmem:s17+$0x770]  }
0x160: {  	v36 =	vld [tilespmem:s17+$0x4780]  }
0x161: {  	v37 =	vld [tilespmem:s17+$0x8780]  }
0x162: {  	v38 =	vld [tilespmem:s17+$0x4790]  }
0x163: {  	v39 =	vld [tilespmem:s17+$0x8790]  }
0x164: {  	v15 =	vld [tilespmem:s17+$0x740]  }
0x165: {  	v12 =	vld [tilespmem:s17+$0x750]  }
0x166: {  	v40 =	vld [tilespmem:s17+$0x4760]  }
0x167: {  	v41 =	vld [tilespmem:s17+$0x8760]  }
0x168: {  	v42 =	vld [tilespmem:s17+$0x4770]  }
0x169: {  	v43 =	vld [tilespmem:s17+$0x8770]  }
0x16a: {  	v25 =	vld [tilespmem:s17+$0x720]  }
0x16b: {  	v24 =	vld [tilespmem:s17+$0x730]  }
0x16c: {  	v44 =	vld [tilespmem:s17+$0x4740]  }
0x16d: {  	v45 =	vld [tilespmem:s17+$0x8740]  }
0x16e: {  	v46 =	vld [tilespmem:s17+$0x4750]  }
0x16f: {  	v47 =	vld [tilespmem:s17+$0x8750]  }
0x170: {  	v33 =	vld [tilespmem:s17+$0x700]  }
0x171: {  	v28 =	vld [tilespmem:s17+$0x710]  }
0x172: {  	v48 =	vld [tilespmem:s17+$0x4720]  }
0x173: {  	v49 =	vld [tilespmem:s17+$0x8720]  }
0x174: {  	v50 =	vld [tilespmem:s17+$0x4730]  }
0x175: {  	v51 =	vld [tilespmem:s17+$0x8730]  }
0x176: {  	v29 =	vld [tilespmem:s17+$0x6E0]  }
0x177: {  	v30 =	vld [tilespmem:s17+$0x6F0]  }
0x178: {  	v52 =	vld [tilespmem:s17+$0x4700]  }
0x179: {  	v53 =	vld [tilespmem:s17+$0x8700]  }
0x17a: {  	v54 =	vld [tilespmem:s17+$0x4710]  }
0x17b: {  	v55 =	vld [tilespmem:s17+$0x8710]  }
0x17c: {  	v9 =	vsub.f32 v9, v10;
	v10 =	vsub.f32 v13, v14;
	v31 =	vld [tilespmem:s17+$0x6C0]  }
0x17d: {  	v13 =	vsub.f32 v18, v19;
	v32 =	vld [tilespmem:s17+$0x6D0]  }
0x17e: {  	v4 =	vmul.f32 v9, v4;
	v5 =	vmul.f32 v10, v5;
	v14 =	vsub.f32 v20, v21;
	v56 =	vld [tilespmem:s17+$0x46E0]  }
0x17f: {  	v6 =	vmul.f32 v13, v6;
	v9 =	vsub.f32 v26, v27;
	v10 =	vsub.f32 v34, v35;
	v57 =	vld [tilespmem:s17+$0x86E0]  }
0x180: {  	v8 =	vmul.f32 v14, v8;
	v13 =	vsub.f32 v36, v37;
	v18 =	vsub.f32 v38, v39;
	v34 =	vld [tilespmem:s17+$0x46F0]  }
0x181: {  	v4 =	vadd.f32 v5, v4;
	v14 =	vmul.f32 v9, v16;
	v16 =	vmul.f32 v10, v17;
	v35 =	vld [tilespmem:s17+$0x86F0]  }
0x182: {  	v6 =	vadd.f32 v8, v6;
	v5 =	vmul.f32 v13, v22;
	v13 =	vmul.f32 v18, v23;
	v9 =	vld [tilespmem:s17+$0x6A0]  }
0x183: {  	v8 =	vadd.f32 v16, v14;
	v14 =	vperm.xlane v4, v0;
	v10 =	vld [tilespmem:s17+$0x6B0]  }
0x184: {  	v5 =	vadd.f32 v13, v5;
	v13 =	vperm.xlane v6, v0;
	v36 =	vld [tilespmem:s17+$0x46C0]  }
0x185: {  	v16 =	vperm.xlane v8, v0;
	v4 =	vadd.f32 v4, v14;
	v37 =	vld [tilespmem:s17+$0x86C0]  }
0x186: {  	v14 =	vperm.xlane v5, v0;
	v6 =	vadd.f32 v6, v13;
	v38 =	vld [tilespmem:s17+$0x46D0]  }
0x187: {  	v17 =	vperm.xlane v4, v1;
	v13 =	vadd.f32 v8, v16;
	v39 =	vld [tilespmem:s17+$0x86D0]  }
0x188: {  	v5 =	vadd.f32 v5, v14;
	v14 =	vperm.xlane v6, v1;
	v8 =	vld [tilespmem:s17+$0x680]  }
0x189: {  	v4 =	vadd.f32 v4, v17;
	v20 =	vperm.xlane v13, v1;
	v16 =	vld [tilespmem:s17+$0x46A0]  }
0x18a: {  	v17 =	vperm.xlane v5, v1;
	v6 =	vadd.f32 v6, v14;
	v19 =	vld [tilespmem:s17+$0x86A0]  }
0x18b: {  	v21 =	vperm.xlane v4, v2;
	v14 =	vadd.f32 v13, v20;
	v18 =	vld [tilespmem:s17+$0x46B0]  }
0x18c: {  	v17 =	vadd.f32 v5, v17;
	v5 =	vperm.xlane v6, v2;
	v20 =	vld [tilespmem:s17+$0x86B0]  }
0x18d: {  	v4 =	vadd.f32 v4, v21;
	v26 =	vperm.xlane v14, v2;
	v13 =	vld [tilespmem:s17+$0x660]  }
0x18e: {  	v21 =	vsub.f32 v40, v41;
	v27 =	vperm.xlane v17, v2;
	v5 =	vadd.f32 v6, v5;
	v22 =	vld [tilespmem:s17+$0x4680]  }
0x18f: {  	v40 =	vsub.f32 v42, v43;
	v6 =	vadd.f32 v14, v26;
	v23 =	vld [tilespmem:s17+$0x8680]  }
0x190: {  	v41 =	vmul.f32 v21, v7;
	v26 =	vsub.f32 v44, v45;
	v7 =	vadd.f32 v17, v27;
	v14 =	vld [tilespmem:s17+$0x4690]  }
0x191: {  	v11 =	vmul.f32 v40, v11;
	v42 =	vsub.f32 v46, v47;
	v27 =	vsub.f32 v48, v49;
	v17 =	vld [tilespmem:s17+$0x8690]  }
0x192: {  	v15 =	vmul.f32 v26, v15;
	v43 =	vsub.f32 v50, v51;
	v40 =	vsub.f32 v52, v53;
	v21 =	vld [tilespmem:s17+$0x640]  }
0x193: {  	v12 =	vmul.f32 v42, v12;
	v45 =	vmul.f32 v27, v25;
	v44 =	vsub.f32 v54, v55;
	v26 =	vld [tilespmem:s17+$0x4660]  }
0x194: {  	v11 =	vadd.f32 v11, v41;
	v33 =	vmul.f32 v40, v33;
	v40 =	vmul.f32 v43, v24;
	v27 =	vld [tilespmem:s17+$0x8660]  }
0x195: {  	v41 =	vsub.f32 v56, v57;
	v34 =	vsub.f32 v34, v35;
	v35 =	vmul.f32 v44, v28;
	v24 =	vld [tilespmem:s17+$0x4670]  }
0x196: {  	v12 =	vadd.f32 v12, v15;
	v15 =	vperm.xlane v11, v0;
	v40 =	vadd.f32 v40, v45;
	v25 =	vld [tilespmem:s17+$0x8670]  }
0x197: {  	v41 =	vmul.f32 v41, v29;
	v34 =	vmul.f32 v34, v30;
	v35 =	vadd.f32 v35, v33;
	v28 =	vld [tilespmem:s17+$0x600]  }
0x198: {  	v36 =	vsub.f32 v36, v37;
	v37 =	vsub.f32 v38, v39;
	v38 =	vperm.xlane v12, v0;
	v29 =	vld [tilespmem:s17+$0x610]  }
0x199: {  	v42 =	vperm.xlane v40, v0;
	v39 =	vadd.f32 v34, v41;
	v41 =	vperm.xlane v35, v0;
	v30 =	vld [tilespmem:s17+$0x620]  }
0x19a: {  	v11 =	vadd.f32 v11, v15;
	v36 =	vmul.f32 v36, v31;
	v32 =	vmul.f32 v37, v32;
	v33 =	vld [tilespmem:s17+$0x4640]  }
0x19b: {  	v40 =	vadd.f32 v40, v42;
	v15 =	vperm.xlane v39, v0;
	v12 =	vadd.f32 v12, v38;
	v34 =	vld [tilespmem:s17+$0x8640]  }
0x19c: {  	v41 =	vadd.f32 v35, v41;
	v37 =	vperm.xlane v11, v1;
	v32 =	vadd.f32 v32, v36;
	v31 =	vld [tilespmem:s17+$0x4650]  }
0x19d: {  	v38 =	vperm.xlane v40, v1;
	v15 =	vadd.f32 v39, v15;
	v39 =	vperm.xlane v12, v1;
	v35 =	vld [tilespmem:s17+$0x4600]  }
0x19e: {  	v43 =	vperm.xlane v41, v1;
	v11 =	vadd.f32 v11, v37;
	v42 =	vperm.xlane v32, v0;
	v36 =	vld [tilespmem:s17+$0x8600]  }
.Ltmp1:
0x19f: {  	v47 =	vadd.f32 v40, v38;
	v44 =	vperm.xlane v15, v1;
	v12 =	vadd.f32 v12, v39;
	v37 =	vld [tilespmem:s17+$0x4610];
	(pc) =	sbr.rel @p0 .LBB2_4-.Ltmp1, $4  }
0x1a0: {  	v32 =	vadd.f32 v32, v42;
	v42 =	vadd.f32 v41, v43;
	v41 =	vperm.xlane v11, v2;
	v38 =	vld [tilespmem:s17+$0x8610]  }
0x1a1: {  	v43 =	vadd.f32 v15, v44;
	v15 =	vperm.xlane v47, v2;
	v48 =	vperm.xlane v12, v2;
	v39 =	vld [tilespmem:s17+$0x4620]  }
0x1a2: {  	v44 =	vperm.xlane v32, v1;
	v45 =	vperm.xlane v42, v2;
	v11 =	vadd.f32 v11, v41;
	v40 =	vld [tilespmem:s17+$0x8620]  }
0x1a3: {  	s18 =	sadd.s32 $0x800, s18;
	v46 =	vperm.xlane v43, v2;
	v15 =	vadd.f32 v47, v15;
	v12 =	vadd.f32 v12, v48;
	v41 =	vld [tilespmem:s17+$0x4630]  }
0x1a4: {  	v32 =	vadd.f32 v32, v44  }
0x1a5: {  	v47 =	vld [tilespmem:s17+$0x8630];
	v42 =	vadd.f32 v42, v45;
	v16 =	vsub.f32 v16, v19  }
0x1a6: {  	v51 =	vld [tilespmem:s17+$0x8650];
	v22 =	vsub.f32 v22, v23;
	v18 =	vsub.f32 v18, v20  }
0x1a7: {  	v52 =	vld [tilespmem:s17+$0x630];
	v33 =	vsub.f32 v33, v34;
	v26 =	vsub.f32 v26, v27  }
0x1a8: {  	v54 =	vld [tilespmem:s17+$0x650];
	v55 =	vsub.f32 v35, v36;
	v24 =	vsub.f32 v24, v25;
	v53 =	vperm.xlane v32, v2  }
0x1a9: {  	v57 =	vld [tilespmem:s17+$0x670];
	v56 =	vsub.f32 v37, v38;
	v9 =	vmul.f32 v16, v9;
	v10 =	vmul.f32 v18, v10  }
0x1aa: {  	v60 =	vld [tilespmem:s17+$0x690];
	v13 =	vmul.f32 v26, v13;
	v58 =	vsub.f32 v39, v40;
	v59 =	vsub.f32 v41, v47  }
0x1ab: {  	v16 =	vmul.f32 v55, v28;
	v27 =	vmul.f32 v56, v29;
	v61 =	vsub.f32 v31, v51  }
0x1ac: {  	v14 =	vsub.f32 v14, v17;
	v18 =	vmul.f32 v58, v30;
	v62 =	vmul.f32 v59, v52  }
0x1ad: {  	v19 =	vadd.f32 v43, v46;
	v21 =	vmul.f32 v33, v21;
	v23 =	vmul.f32 v61, v54  }
0x1ae: {  	v16 =	vadd.f32 v27, v16;
	v25 =	vmul.f32 v24, v57;
	v63 =	vadd.f32 v62, v18  }
0x1af: {  	v8 =	vmul.f32 v22, v8;
	v14 =	vmul.f32 v14, v60;
	v21 =	vadd.f32 v23, v21  }
0x1b0: {  	v27 =	vperm.xlane v16, v0;
	v13 =	vadd.f32 v25, v13;
	v28 =	vperm.xlane v63, v0  }
0x1b1: {  	v9 =	vadd.f32 v10, v9;
	v8 =	vadd.f32 v14, v8;
	v29 =	vperm.xlane v21, v0  }
0x1b2: {  	v30 =	vadd.f32 v16, v27;
	v33 =	vperm.xlane v13, v0;
	v31 =	vadd.f32 v63, v28  }
0x1b3: {  	v36 =	vperm.xlane v9, v0;
	v35 =	vperm.xlane v8, v0;
	v34 =	vadd.f32 v21, v29  }
0x1b4: {  	v22 =	vperm.xlane v30, v1;
	v13 =	vadd.f32 v13, v33;
	v23 =	vperm.xlane v31, v1  }
0x1b5: {  	v9 =	vadd.f32 v9, v36;
	v8 =	vadd.f32 v8, v35;
	v37 =	vperm.xlane v34, v1  }
0x1b6: {  	v10 =	vadd.f32 v30, v22;
	v38 =	vperm.xlane v13, v1;
	v14 =	vadd.f32 v31, v23  }
0x1b7: {  	v39 =	vperm.xlane v8, v1;
	v21 =	vperm.xlane v9, v1;
	v16 =	vadd.f32 v34, v37  }
0x1b8: {  	v22 =	vperm.xlane v10, v2;
	v13 =	vadd.f32 v13, v38;
	v23 =	vperm.xlane v14, v2  }
0x1b9: {  	v8 =	vadd.f32 v8, v39;
	v9 =	vadd.f32 v9, v21;
	v40 =	vperm.xlane v16, v2  }
0x1ba: {  	v10 =	vadd.f32 v10, v22;
	v41 =	vperm.xlane v13, v2;
	v14 =	vadd.f32 v14, v23  }
0x1bb: {  	v43 =	vperm.xlane v8, v2;
	v21 =	vperm.xlane v9, v2;
	v16 =	vadd.f32 v16, v40  }
0x1bc: {  	v22 =	vperm.xlane v10, v3;
	v13 =	vadd.f32 v13, v41;
	v23 =	vperm.xlane v14, v3  }
0x1bd: {  	v8 =	vadd.f32 v8, v43;
	v9 =	vadd.f32 v9, v21;
	v44 =	vperm.xlane v16, v3  }
0x1be: {  	v10 =	vadd.f32 v10, v22;
	v45 =	vperm.xlane v13, v3;
	v14 =	vadd.f32 v14, v23  }
0x1bf: {  	v20 =	vadd.f32 v32, v53;
	v46 =	vperm.xlane v8, v3;
	v16 =	vadd.f32 v16, v44  }
0x1c0: {  	v47 =	vperm.xlane v9, v3;
	v13 =	vadd.f32 v13, v45;
	v10 =	vsel vm1, v10, v14  }
0x1c1: {  	v48 =	vperm.xlane v20, v3;
	v8 =	vadd.f32 v8, v46;
	v10 =	vsel vm2, v10, v16  }
0x1c2: {  	v49 =	vperm.xlane v19, v3;
	v9 =	vadd.f32 v9, v47;
	v10 =	vsel vm3, v10, v13  }
0x1c3: {  	v51 =	vperm.xlane v42, v3;
	v50 =	vadd.f32 v20, v48;
	v8 =	vsel vm4, v10, v8  }
0x1c4: {  	v53 =	vperm.xlane v15, v3;
	v52 =	vadd.f32 v19, v49;
	v8 =	vsel vm5, v8, v9  }
0x1c5: {  	v55 =	vperm.xlane v12, v3;
	v54 =	vadd.f32 v42, v51;
	v8 =	vsel vm6, v8, v50  }
0x1c6: {  	v57 =	vperm.xlane v11, v3;
	v56 =	vadd.f32 v15, v53;
	v8 =	vsel vm7, v8, v52  }
0x1c7: {  	v58 =	vadd.f32 v12, v55;
	v59 =	vperm.xlane v7, v3;
	v8 =	vsel vm8, v8, v54  }
0x1c8: {  	v60 =	vadd.f32 v11, v57;
	v61 =	vperm.xlane v6, v3;
	v8 =	vsel vm9, v8, v56  }
0x1c9: {  	v7 =	vadd.f32 v7, v59;
	v62 =	vperm.xlane v5, v3;
	v8 =	vsel vm10, v8, v58  }
0x1ca: {  	v6 =	vadd.f32 v6, v61;
	v63 =	vperm.xlane v4, v3;
	v8 =	vsel vm11, v8, v60  }
0x1cb: {  	v5 =	vadd.f32 v5, v62;
	v7 =	vsel vm12, v8, v7  }
0x1cc: {  	v4 =	vadd.f32 v4, v63;
	v6 =	vsel vm13, v7, v6  }
0x1cd: {  	v5 =	vsel vm14, v6, v5  }
0x1ce: {  	v4 =	vsel vm15, v5, v4  }
0x1cf: {  	v4 =	vsub.f32 $0.0e+00, v4;
	_ =	sdelay $0x1  }
0x1d0: {  	v4 =	vmul.f32 $1.442695020e+00, v4;
	_ =	sdelay $0x1  }
0x1d1: {  	(erf) = vpow2.f32 v4;
	_ =	sdelay $0x8  }
0x1d2: {  	v4 =	vpop (erf)  }
0x1d3: {  	v4 =	vadd.f32 $1.000000000e+00, v4;
	_ =	sdelay $0x1  }
0x1d4: {  	(erf) = vrcp.f32 v4;
	_ =	sdelay $0x7  }
0x1d5: {  	s15 =	sadd.s32 $0x1, s15  }
0x1d6: {  	s16 =	sadd.s32 $0x10, s16;
	p0 =	sne.s32 s15, s9;
	v4 =	vpop (erf)  }
.Ltmp2:
0x1d7: {  	[tilespmem:s16+$0x0] =	vst v4;
	(pc) =	sbr.rel @p0 .LBB2_1-.Ltmp2, $4  }
0x1d8: {  	[hbm4b:s8+s1] =	stream.linear.scatter [tilespmem:s14], [sflag:$0x2], $0x200, $0x38;
	[tilespmem:$0xC800] =	vst v63  }
0x1d9: {  	_ =	swait.ge [sflag:s10], $0x200  }
0x1da: {  	[sflag:s10] =	ssyncset.done $0x0  }
0x1db: {  	[sflag:s10] =	ssyncadd.s32 $0xFFFFFE00  }
0x1dc: {  	_ =	sfence.sel $0x180000  }
0x1dd: {  	[bflag:$0x0] =	sbarrier.arrive $0xFFFF  }
0x1de: {  	p0 =	sne.s32 s2, $0x0;
	_ =	strace $0x90000047  }
0x1df: {  	s0 =	sadd.s32 @!p0 $0x100000, s0;
	[bflag:$0x2] =	sbarrier.arrive $0xFFFF  }
0x1e0: {  	[sflag:s0] =	ssyncadd.tile.s32 @!p0 $0x1;
	_ =	shalt  }
.Lfunc_end2:
_tile_overlayer_lowered:
.L_overlay_start_2:
0x1e1: {  	(tag) =	ssettag $0x2  }
0x1e2: {  	s0 =	rddreg [dreg:$0x0];
	s2 =	stileid.u32  }
0x1e3: {  	s1 =	rddreg [dreg:$0x1];
	p0 =	sne.s32 s2, $0x0  }
0x1e4: {  	s3 =	rddreg [dreg:$0x2];
	[bflag:$0x3] =	sbarrier.arrive $0xFFFF;
	s2 =	simm.s32 @!p0 $0x1C02  }
0x1e5: {  	[timem:s3], [sflag:s2] =	dma.local @!p0 [hbm:s0], s1  }
0x1e6: {  	s0 =	simm.s32 @!p0 $0x2  }
0x1e7: {  	_ =	swait.ge @!p0 [sflag:s0], s1  }
0x1e8: {  	s1 =	ssub.s32 @!p0 $0x0, s1;
	[sflag:s0] =	ssyncset.done @!p0 $0x0  }
0x1e9: {  	[sflag:s0] =	ssyncadd.s32 @!p0 s1  }
0x1ea: {  	[bflag:$0x3] =	sbarrier.arrive $0xFFFF  }
0x1eb: {  	_ =	shalt  }

</sc_bundles>
